<compile_context>
chip_gen: v7x
topology: tpu7x:2x2x1
jax: 0.10.2.dev20260603
libtpu: 0.0.44.dev20260713+nightly
codegen_flags: <defaults>
</compile_context>

<pallas_src>
import functools

import jax
import jax.numpy as jnp
from jax import lax
from jax.experimental import pallas as pl
from jax.experimental.pallas import tpu as pltpu
from jax.experimental.pallas import tpu_sc as plsc

B = 16384
K = 8192
D = 64
DP = 128
BT = 1024
NB = B // BT
EPS = 1e-12

NC = 2
NS = 16
NW = NC * NS
BPW = B // NW
CH = 128
NCH = BPW // CH


def _prep_body(embt_ref, en_ref):
    et = embt_ref[...]
    etn = et / jnp.maximum(
        jnp.sqrt(jnp.sum(et * et, axis=0, keepdims=True)), EPS)
    en_ref[:, :D] = etn.T
    en_ref[:, D:] = jnp.zeros((K, DP - D), jnp.float32)


def _make_prep(interpret=False):
    return pl.pallas_call(
        _prep_body,
        out_shape=jax.ShapeDtypeStruct((K, DP), jnp.float32),
        interpret=interpret,
    )


def _main_body(zt_ref, en_ref, znt_ref, idx_ref):
    zt = zt_ref[...]
    zn = zt / jnp.maximum(jnp.sqrt(jnp.sum(zt * zt, axis=0, keepdims=True)),
                          EPS)
    znt_ref[...] = zn
    en = en_ref[:, :D]
    sim = lax.dot_general(zn, en, (((0,), (1,)), ((), ())),
                          preferred_element_type=jnp.float32)
    idx = jnp.argmax(sim, axis=1).astype(jnp.int32)
    idx_ref[...] = idx


def _make_main(interpret=False):
    return pl.pallas_call(
        _main_body,
        grid=(NB,),
        in_specs=[
            pl.BlockSpec((D, BT), lambda i: (0, i)),
            pl.BlockSpec((K, DP), lambda i: (0, 0)),
        ],
        out_specs=[
            pl.BlockSpec((D, BT), lambda i: (0, i)),
            pl.BlockSpec((BT,), lambda i: (i,)),
        ],
        out_shape=[
            jax.ShapeDtypeStruct((D, B), jnp.float32),
            jax.ShapeDtypeStruct((B,), jnp.int32),
        ],
        compiler_params=pltpu.CompilerParams(
            dimension_semantics=("parallel",)),
        interpret=interpret,
    )


def _gat_body(tab_ref, idx_ref, zq_ref, idxv, rows, sem):
    cid = lax.axis_index("c")
    sid = lax.axis_index("s")
    wid = sid * NC + cid
    pltpu.sync_copy(idx_ref.at[pl.ds(wid * NCH, NCH)], idxv)
    for j in range(NCH):
        pltpu.async_copy(tab_ref.at[idxv.at[j]],
                         rows.at[pl.ds(j * CH, CH)], sem).wait()
    pltpu.sync_copy(rows, zq_ref.at[pl.ds(wid * BPW, BPW)])


def _make_gat():
    mesh = plsc.VectorSubcoreMesh(core_axis_name="c", subcore_axis_name="s")
    return pl.kernel(
        _gat_body,
        mesh=mesh,
        out_type=jax.ShapeDtypeStruct((B, DP), jnp.float32),
        scratch_types=[
            pltpu.VMEM((NCH, CH), jnp.int32),
            pltpu.VMEM((BPW, DP), jnp.float32),
            pltpu.SemaphoreType.DMA,
        ],
    )


def _hist_body(idx_ref, cnt_ref, idxv, ones_v, zer_v, cnt_sh):
    cid = lax.axis_index("c")
    sid = lax.axis_index("s")
    wid = sid * NC + cid
    pltpu.sync_copy(idx_ref.at[pl.ds(wid * NCH, NCH)], idxv)
    for j in range(CH // 16):
        ones_v[pl.ds(j * 16, 16)] = jnp.ones((16,), jnp.float32)
    for j in range((K // NS) // 16):
        zer_v[pl.ds(j * 16, 16)] = jnp.zeros((16,), jnp.float32)
    pltpu.sync_copy(zer_v, cnt_sh.at[pl.ds(sid * (K // NS), K // NS)])
    plsc.subcore_barrier()
    for j in range(NCH):
        pltpu.sync_copy(ones_v, cnt_sh.at[idxv.at[j]], add=True)
    plsc.subcore_barrier()

    @pl.when(sid == 0)
    def _():
        pltpu.sync_copy(cnt_sh, cnt_ref.at[cid])


def _make_hist():
    mesh = plsc.VectorSubcoreMesh(core_axis_name="c", subcore_axis_name="s")
    return pl.kernel(
        _hist_body,
        mesh=mesh,
        out_type=jax.ShapeDtypeStruct((NC, K), jnp.float32),
        scratch_types=[
            pltpu.VMEM((NCH, CH), jnp.int32),
            pltpu.VMEM((CH,), jnp.float32),
            pltpu.VMEM((K // NS,), jnp.float32),
            pltpu.VMEM_SHARED((K,), jnp.float32),
        ],
        compiler_params=pltpu.CompilerParams(use_tc_tiling_on_sc=False),
    )


FT = 2048
NF = B // FT


def _fin_body(zn_ref, zq_ref, zste_ref, com_ref, cod_ref, acc_ref):
    i = pl.program_id(0)
    zn = zn_ref[...]
    zq = zq_ref[:, :D].T
    zste_ref[...] = zn + (zq - zn)
    dlt = zn - zq
    s = jnp.sum(dlt * dlt)

    @pl.when(i == 0)
    def _():
        acc_ref[0] = s

    @pl.when(i > 0)
    def _():
        acc_ref[0] += s

    @pl.when(i == NF - 1)
    def _():
        mse = acc_ref[0] * (1.0 / (B * D))
        com_ref[0, 0] = 0.25 * mse
        cod_ref[0, 0] = mse


def _make_fin(interpret=False):
    scalar = jax.ShapeDtypeStruct((1, 1), jnp.float32)
    smem = pl.BlockSpec((1, 1), lambda i: (0, 0), memory_space=pltpu.SMEM)
    return pl.pallas_call(
        _fin_body,
        grid=(NF,),
        in_specs=[
            pl.BlockSpec((D, FT), lambda i: (0, i)),
            pl.BlockSpec((FT, DP), lambda i: (i, 0)),
        ],
        out_specs=[pl.BlockSpec((D, FT), lambda i: (0, i)),
                   smem, smem],
        out_shape=[jax.ShapeDtypeStruct((D, B), jnp.float32),
                   scalar, scalar],
        scratch_shapes=[pltpu.SMEM((1,), jnp.float32)],
        interpret=interpret,
    )


def _pp_body(cnt_ref, per_ref, util_ref):
    c = cnt_ref[...]
    cc = c[0:1, :] + c[1:2, :]
    p = cc * (1.0 / B)
    ent = -jnp.sum(p * jnp.log(p + 1e-10))
    per_ref[0, 0] = jnp.exp(ent)
    util_ref[0, 0] = jnp.sum((cc > 0.0).astype(jnp.float32)) * (1.0 / K)


def _make_pp(interpret=False):
    scalar = jax.ShapeDtypeStruct((1, 1), jnp.float32)
    smem = pl.BlockSpec(memory_space=pltpu.SMEM)
    return pl.pallas_call(
        _pp_body,
        out_specs=[smem, smem],
        out_shape=[scalar, scalar],
        interpret=interpret,
    )


_prep = _make_prep()
_main = _make_main()
_fin = _make_fin()
_pp = _make_pp()
_get_gat = functools.cache(_make_gat)
_get_hist = functools.cache(_make_hist)


def kernel(z_e, embeddings):
    en128 = _prep(embeddings.T)
    znt, idx = _main(z_e.T, en128)
    idx2 = idx.reshape(B // CH, CH)
    zq = _get_gat()(en128, idx2)
    idx2h, _ = lax.optimization_barrier((idx2, zq))
    cnt2 = _get_hist()(idx2h)
    zstet, com, cod = _fin(znt, zq)
    per, util = _pp(cnt2)
    return (zstet.T, idx, com.reshape(()), cod.reshape(()),
            per.reshape(()), util.reshape(()))

# --- scband reference (transcript-rebuilt; emitter-appended) ---
"""Pipeline reference for scband-spherical-codebook-25280177504373 (READ-ONLY COPY).

The authoritative reference and input builder live on the scoring server;
editing this copy changes nothing except your own understanding.
"""

import jax, jax.numpy as jnp
import numpy as np

NUM_CODES = 8192
LATENT_DIM = 64
COMMITMENT_WEIGHT = 0.25


def l2_normalize(x, axis=-1, eps=1e-12):
    norm = jnp.linalg.norm(x, axis=axis, keepdims=True)
    return x / jnp.maximum(norm, eps)


def setup_inputs(seed: int = 0) -> dict:
    key = jax.random.key(seed)
    k1, k2 = jax.random.split(key)
    z_e = jax.random.normal(k1, (16384, LATENT_DIM), dtype=jnp.float32)
    embeddings = l2_normalize(jax.random.normal(k2, (NUM_CODES, LATENT_DIM), dtype=jnp.float32))
    return {"z_e": z_e, "embeddings": embeddings}


def reference(z_e, embeddings):
    # Eval-mode forward of SphericalCodebook (no EMA / kmeans-init / dead-code revival).
    z_e_norm = l2_normalize(z_e, axis=-1)
    emb_norm = l2_normalize(embeddings, axis=-1)
    sim = z_e_norm @ emb_norm.T                     # (B, K) dense similarity
    indices = jnp.argmax(sim, axis=-1)              # (B,)
    z_q = jnp.take(emb_norm, indices, axis=0)       # gather (B, D)
    commitment_loss = COMMITMENT_WEIGHT * jnp.mean((z_e_norm - jax.lax.stop_gradient(z_q)) ** 2)
    codebook_loss = jnp.mean((jax.lax.stop_gradient(z_e_norm) - z_q) ** 2)
    z_q_ste = z_e_norm + jax.lax.stop_gradient(z_q - z_e_norm)
    onehot = jax.nn.one_hot(indices, NUM_CODES, dtype=jnp.float32)
    avg_probs = jnp.mean(onehot, axis=0)
    perplexity = jnp.exp(-jnp.sum(avg_probs * jnp.log(avg_probs + 1e-10)))
    utilization = jnp.mean((avg_probs > 0).astype(jnp.float32))
    return (z_q_ste, indices, commitment_loss, codebook_loss, perplexity, utilization)

if __name__ == "__main__":
    import jax
    _d = setup_inputs()
    print(jax.jit(kernel)(*tuple(_d.values())))

</pallas_src>

<mosaic_0001>
#map = affine_map<(d0, d1) -> (0, 0)>
module attributes {stable_mosaic.version = 14 : i64} {
  func.func @_hist_body(%arg0: i32, %arg1: i32, %arg2: memref<128x128xi32, #tpu.memory_space<hbm>>, %arg3: memref<2x8192xf32, #tpu.memory_space<hbm>>, %arg4: memref<4x128xi32, #tpu.memory_space<vmem>>, %arg5: memref<128xf32, #tpu.memory_space<vmem>>, %arg6: memref<512xf32, #tpu.memory_space<vmem>>, %arg7: memref<8192xf32, #tpu.memory_space<vmem_shared>>) attributes {dimension_semantics = [#tpu.dimension_semantics<core_parallel>, #tpu.dimension_semantics<subcore_parallel>], iteration_bounds = array<i64: 2, 16>, scalar_prefetch = 0 : i64, scratch_operands = 4 : i64, tpu.core_type = #tpu.core_type<sc_vector_subcore>, window_params = [{transform_indices = #map}, {transform_indices = #map}]} {
    %mul3A = arith.constant 2 : i32
    %mul3A_0 = arith.muli %arg1, %mul3A : i32
    %add3A = arith.addi %mul3A_0, %arg0 : i32
    %mul3A_1 = arith.constant 4 : i32
    %mul3A_2 = arith.muli %add3A, %mul3A_1 : i32
    "tpu.region"() ({
      %run_scoped3A_249 = tpu.sem_alloc : memref<!tpu.dma_semaphore, #tpu.memory_space<semaphore_mem>>
      %dma_start3A = arith.constant 0 : i32
      %dma_start3A_250 = tpu.memref_slice %arg2[%mul3A_2, %dma_start3A] : memref<128x128xi32, #tpu.memory_space<hbm>> -> memref<4x128xi32, #tpu.memory_space<hbm>>
      %dma_start3A_251 = arith.constant 0 : i32
      %dma_start3A_252 = tpu.memref_slice %arg2[%mul3A_2, %dma_start3A_251] : memref<128x128xi32, #tpu.memory_space<hbm>> -> memref<4x128xi32, #tpu.memory_space<hbm>>
      tpu.enqueue_dma source(%dma_start3A_252 : memref<4x128xi32, #tpu.memory_space<hbm>>) target(%arg4 : memref<4x128xi32, #tpu.memory_space<vmem>>) target_semaphore(%run_scoped3A_249 : memref<!tpu.dma_semaphore, #tpu.memory_space<semaphore_mem>>)
      %dma_wait3A = arith.constant 0 : i32
      %dma_wait3A_253 = tpu.memref_slice %arg2[%mul3A_2, %dma_wait3A] : memref<128x128xi32, #tpu.memory_space<hbm>> -> memref<4x128xi32, #tpu.memory_space<hbm>>
      %dma_wait3A_254 = arith.constant 0 : i32
      %dma_wait3A_255 = tpu.memref_slice %arg2[%mul3A_2, %dma_wait3A_254] : memref<128x128xi32, #tpu.memory_space<hbm>> -> memref<4x128xi32, #tpu.memory_space<hbm>>
      tpu.wait_dma2 semaphore(%run_scoped3A_249 : memref<!tpu.dma_semaphore, #tpu.memory_space<semaphore_mem>>) src(%dma_wait3A_255 : memref<4x128xi32, #tpu.memory_space<hbm>>) dst(%arg4 : memref<4x128xi32, #tpu.memory_space<vmem>>)
      tpu.yield
    }) : () -> ()
    %broadcast_in_dim3A = arith.constant 1.000000e+00 : f32
    %broadcast_in_dim3A_3 = vector.broadcast %broadcast_in_dim3A : f32 to vector<16xf32>
    %swap3A = arith.constant 0 : index
    %swap3A_4 = tpu.vector_load %arg5[%swap3A] {strides = array<i32>} : memref<128xf32, #tpu.memory_space<vmem>>, vector<16xf32>,
    %swap3A_5 = vector.shape_cast %swap3A_4 : vector<16xf32> to vector<16xf32>
    %swap3A_6 = vector.shape_cast %broadcast_in_dim3A_3 : vector<16xf32> to vector<16xf32>
    tpu.vector_store %arg5[%swap3A], %swap3A_6 {strides = array<i32>} : memref<128xf32, #tpu.memory_space<vmem>>, vector<16xf32>,
    %broadcast_in_dim3A_7 = arith.constant 1.000000e+00 : f32
    %broadcast_in_dim3A_8 = vector.broadcast %broadcast_in_dim3A_7 : f32 to vector<16xf32>
    %swap3A_9 = arith.constant 16 : index
    %swap3A_10 = tpu.vector_load %arg5[%swap3A_9] {strides = array<i32>} : memref<128xf32, #tpu.memory_space<vmem>>, vector<16xf32>,
    %swap3A_11 = vector.shape_cast %swap3A_10 : vector<16xf32> to vector<16xf32>
    %swap3A_12 = vector.shape_cast %broadcast_in_dim3A_8 : vector<16xf32> to vector<16xf32>
    tpu.vector_store %arg5[%swap3A_9], %swap3A_12 {strides = array<i32>} : memref<128xf32, #tpu.memory_space<vmem>>, vector<16xf32>,
    %broadcast_in_dim3A_13 = arith.constant 1.000000e+00 : f32
    %broadcast_in_dim3A_14 = vector.broadcast %broadcast_in_dim3A_13 : f32 to vector<16xf32>
    %swap3A_15 = arith.constant 32 : index
    %swap3A_16 = tpu.vector_load %arg5[%swap3A_15] {strides = array<i32>} : memref<128xf32, #tpu.memory_space<vmem>>, vector<16xf32>,
    %swap3A_17 = vector.shape_cast %swap3A_16 : vector<16xf32> to vector<16xf32>
    %swap3A_18 = vector.shape_cast %broadcast_in_dim3A_14 : vector<16xf32> to vector<16xf32>
    tpu.vector_store %arg5[%swap3A_15], %swap3A_18 {strides = array<i32>} : memref<128xf32, #tpu.memory_space<vmem>>, vector<16xf32>,
    %broadcast_in_dim3A_19 = arith.constant 1.000000e+00 : f32
    %broadcast_in_dim3A_20 = vector.broadcast %broadcast_in_dim3A_19 : f32 to vector<16xf32>
    %swap3A_21 = arith.constant 48 : index
    %swap3A_22 = tpu.vector_load %arg5[%swap3A_21] {strides = array<i32>} : memref<128xf32, #tpu.memory_space<vmem>>, vector<16xf32>,
    %swap3A_23 = vector.shape_cast %swap3A_22 : vector<16xf32> to vector<16xf32>
    %swap3A_24 = vector.shape_cast %broadcast_in_dim3A_20 : vector<16xf32> to vector<16xf32>
    tpu.vector_store %arg5[%swap3A_21], %swap3A_24 {strides = array<i32>} : memref<128xf32, #tpu.memory_space<vmem>>, vector<16xf32>,
    %broadcast_in_dim3A_25 = arith.constant 1.000000e+00 : f32
    %broadcast_in_dim3A_26 = vector.broadcast %broadcast_in_dim3A_25 : f32 to vector<16xf32>
    %swap3A_27 = arith.constant 64 : index
    %swap3A_28 = tpu.vector_load %arg5[%swap3A_27] {strides = array<i32>} : memref<128xf32, #tpu.memory_space<vmem>>, vector<16xf32>,
    %swap3A_29 = vector.shape_cast %swap3A_28 : vector<16xf32> to vector<16xf32>
    %swap3A_30 = vector.shape_cast %broadcast_in_dim3A_26 : vector<16xf32> to vector<16xf32>
    tpu.vector_store %arg5[%swap3A_27], %swap3A_30 {strides = array<i32>} : memref<128xf32, #tpu.memory_space<vmem>>, vector<16xf32>,
    %broadcast_in_dim3A_31 = arith.constant 1.000000e+00 : f32
    %broadcast_in_dim3A_32 = vector.broadcast %broadcast_in_dim3A_31 : f32 to vector<16xf32>
    %swap3A_33 = arith.constant 80 : index
    %swap3A_34 = tpu.vector_load %arg5[%swap3A_33] {strides = array<i32>} : memref<128xf32, #tpu.memory_space<vmem>>, vector<16xf32>,
    %swap3A_35 = vector.shape_cast %swap3A_34 : vector<16xf32> to vector<16xf32>
    %swap3A_36 = vector.shape_cast %broadcast_in_dim3A_32 : vector<16xf32> to vector<16xf32>
    tpu.vector_store %arg5[%swap3A_33], %swap3A_36 {strides = array<i32>} : memref<128xf32, #tpu.memory_space<vmem>>, vector<16xf32>,
    %broadcast_in_dim3A_37 = arith.constant 1.000000e+00 : f32
    %broadcast_in_dim3A_38 = vector.broadcast %broadcast_in_dim3A_37 : f32 to vector<16xf32>
    %swap3A_39 = arith.constant 96 : index
    %swap3A_40 = tpu.vector_load %arg5[%swap3A_39] {strides = array<i32>} : memref<128xf32, #tpu.memory_space<vmem>>, vector<16xf32>,
    %swap3A_41 = vector.shape_cast %swap3A_40 : vector<16xf32> to vector<16xf32>
    %swap3A_42 = vector.shape_cast %broadcast_in_dim3A_38 : vector<16xf32> to vector<16xf32>
    tpu.vector_store %arg5[%swap3A_39], %swap3A_42 {strides = array<i32>} : memref<128xf32, #tpu.memory_space<vmem>>, vector<16xf32>,
    %broadcast_in_dim3A_43 = arith.constant 1.000000e+00 : f32
    %broadcast_in_dim3A_44 = vector.broadcast %broadcast_in_dim3A_43 : f32 to vector<16xf32>
    %swap3A_45 = arith.constant 112 : index
    %swap3A_46 = tpu.vector_load %arg5[%swap3A_45] {strides = array<i32>} : memref<128xf32, #tpu.memory_space<vmem>>, vector<16xf32>,
    %swap3A_47 = vector.shape_cast %swap3A_46 : vector<16xf32> to vector<16xf32>
    %swap3A_48 = vector.shape_cast %broadcast_in_dim3A_44 : vector<16xf32> to vector<16xf32>
    tpu.vector_store %arg5[%swap3A_45], %swap3A_48 {strides = array<i32>} : memref<128xf32, #tpu.memory_space<vmem>>, vector<16xf32>,
    %broadcast_in_dim3A_49 = arith.constant 0.000000e+00 : f32
    %broadcast_in_dim3A_50 = vector.broadcast %broadcast_in_dim3A_49 : f32 to vector<16xf32>
    %swap3A_51 = arith.constant 0 : index
    %swap3A_52 = tpu.vector_load %arg6[%swap3A_51] {strides = array<i32>} : memref<512xf32, #tpu.memory_space<vmem>>, vector<16xf32>,
    %swap3A_53 = vector.shape_cast %swap3A_52 : vector<16xf32> to vector<16xf32>
    %swap3A_54 = vector.shape_cast %broadcast_in_dim3A_50 : vector<16xf32> to vector<16xf32>
    tpu.vector_store %arg6[%swap3A_51], %swap3A_54 {strides = array<i32>} : memref<512xf32, #tpu.memory_space<vmem>>, vector<16xf32>,
    %broadcast_in_dim3A_55 = arith.constant 0.000000e+00 : f32
    %broadcast_in_dim3A_56 = vector.broadcast %broadcast_in_dim3A_55 : f32 to vector<16xf32>
    %swap3A_57 = arith.constant 16 : index
    %swap3A_58 = tpu.vector_load %arg6[%swap3A_57] {strides = array<i32>} : memref<512xf32, #tpu.memory_space<vmem>>, vector<16xf32>,
    %swap3A_59 = vector.shape_cast %swap3A_58 : vector<16xf32> to vector<16xf32>
    %swap3A_60 = vector.shape_cast %broadcast_in_dim3A_56 : vector<16xf32> to vector<16xf32>
    tpu.vector_store %arg6[%swap3A_57], %swap3A_60 {strides = array<i32>} : memref<512xf32, #tpu.memory_space<vmem>>, vector<16xf32>,
    %broadcast_in_dim3A_61 = arith.constant 0.000000e+00 : f32
    %broadcast_in_dim3A_62 = vector.broadcast %broadcast_in_dim3A_61 : f32 to vector<16xf32>
    %swap3A_63 = arith.constant 32 : index
    %swap3A_64 = tpu.vector_load %arg6[%swap3A_63] {strides = array<i32>} : memref<512xf32, #tpu.memory_space<vmem>>, vector<16xf32>,
    %swap3A_65 = vector.shape_cast %swap3A_64 : vector<16xf32> to vector<16xf32>
    %swap3A_66 = vector.shape_cast %broadcast_in_dim3A_62 : vector<16xf32> to vector<16xf32>
    tpu.vector_store %arg6[%swap3A_63], %swap3A_66 {strides = array<i32>} : memref<512xf32, #tpu.memory_space<vmem>>, vector<16xf32>,
    %broadcast_in_dim3A_67 = arith.constant 0.000000e+00 : f32
    %broadcast_in_dim3A_68 = vector.broadcast %broadcast_in_dim3A_67 : f32 to vector<16xf32>
    %swap3A_69 = arith.constant 48 : index
    %swap3A_70 = tpu.vector_load %arg6[%swap3A_69] {strides = array<i32>} : memref<512xf32, #tpu.memory_space<vmem>>, vector<16xf32>,
    %swap3A_71 = vector.shape_cast %swap3A_70 : vector<16xf32> to vector<16xf32>
    %swap3A_72 = vector.shape_cast %broadcast_in_dim3A_68 : vector<16xf32> to vector<16xf32>
    tpu.vector_store %arg6[%swap3A_69], %swap3A_72 {strides = array<i32>} : memref<512xf32, #tpu.memory_space<vmem>>, vector<16xf32>,
    %broadcast_in_dim3A_73 = arith.constant 0.000000e+00 : f32
    %broadcast_in_dim3A_74 = vector.broadcast %broadcast_in_dim3A_73 : f32 to vector<16xf32>
    %swap3A_75 = arith.constant 64 : index
    %swap3A_76 = tpu.vector_load %arg6[%swap3A_75] {strides = array<i32>} : memref<512xf32, #tpu.memory_space<vmem>>, vector<16xf32>,
    %swap3A_77 = vector.shape_cast %swap3A_76 : vector<16xf32> to vector<16xf32>
    %swap3A_78 = vector.shape_cast %broadcast_in_dim3A_74 : vector<16xf32> to vector<16xf32>
    tpu.vector_store %arg6[%swap3A_75], %swap3A_78 {strides = array<i32>} : memref<512xf32, #tpu.memory_space<vmem>>, vector<16xf32>,
    %broadcast_in_dim3A_79 = arith.constant 0.000000e+00 : f32
    %broadcast_in_dim3A_80 = vector.broadcast %broadcast_in_dim3A_79 : f32 to vector<16xf32>
    %swap3A_81 = arith.constant 80 : index
    %swap3A_82 = tpu.vector_load %arg6[%swap3A_81] {strides = array<i32>} : memref<512xf32, #tpu.memory_space<vmem>>, vector<16xf32>,
    %swap3A_83 = vector.shape_cast %swap3A_82 : vector<16xf32> to vector<16xf32>
    %swap3A_84 = vector.shape_cast %broadcast_in_dim3A_80 : vector<16xf32> to vector<16xf32>
    tpu.vector_store %arg6[%swap3A_81], %swap3A_84 {strides = array<i32>} : memref<512xf32, #tpu.memory_space<vmem>>, vector<16xf32>,
    %broadcast_in_dim3A_85 = arith.constant 0.000000e+00 : f32
    %broadcast_in_dim3A_86 = vector.broadcast %broadcast_in_dim3A_85 : f32 to vector<16xf32>
    %swap3A_87 = arith.constant 96 : index
    %swap3A_88 = tpu.vector_load %arg6[%swap3A_87] {strides = array<i32>} : memref<512xf32, #tpu.memory_space<vmem>>, vector<16xf32>,
    %swap3A_89 = vector.shape_cast %swap3A_88 : vector<16xf32> to vector<16xf32>
    %swap3A_90 = vector.shape_cast %broadcast_in_dim3A_86 : vector<16xf32> to vector<16xf32>
    tpu.vector_store %arg6[%swap3A_87], %swap3A_90 {strides = array<i32>} : memref<512xf32, #tpu.memory_space<vmem>>, vector<16xf32>,
    %broadcast_in_dim3A_91 = arith.constant 0.000000e+00 : f32
    %broadcast_in_dim3A_92 = vector.broadcast %broadcast_in_dim3A_91 : f32 to vector<16xf32>
    %swap3A_93 = arith.constant 112 : index
    %swap3A_94 = tpu.vector_load %arg6[%swap3A_93] {strides = array<i32>} : memref<512xf32, #tpu.memory_space<vmem>>, vector<16xf32>,
    %swap3A_95 = vector.shape_cast %swap3A_94 : vector<16xf32> to vector<16xf32>
    %swap3A_96 = vector.shape_cast %broadcast_in_dim3A_92 : vector<16xf32> to vector<16xf32>
    tpu.vector_store %arg6[%swap3A_93], %swap3A_96 {strides = array<i32>} : memref<512xf32, #tpu.memory_space<vmem>>, vector<16xf32>,
    %broadcast_in_dim3A_97 = arith.constant 0.000000e+00 : f32
    %broadcast_in_dim3A_98 = vector.broadcast %broadcast_in_dim3A_97 : f32 to vector<16xf32>
    %swap3A_99 = arith.constant 128 : index
    %swap3A_100 = tpu.vector_load %arg6[%swap3A_99] {strides = array<i32>} : memref<512xf32, #tpu.memory_space<vmem>>, vector<16xf32>,
    %swap3A_101 = vector.shape_cast %swap3A_100 : vector<16xf32> to vector<16xf32>
    %swap3A_102 = vector.shape_cast %broadcast_in_dim3A_98 : vector<16xf32> to vector<16xf32>
    tpu.vector_store %arg6[%swap3A_99], %swap3A_102 {strides = array<i32>} : memref<512xf32, #tpu.memory_space<vmem>>, vector<16xf32>,
    %broadcast_in_dim3A_103 = arith.constant 0.000000e+00 : f32
    %broadcast_in_dim3A_104 = vector.broadcast %broadcast_in_dim3A_103 : f32 to vector<16xf32>
    %swap3A_105 = arith.constant 144 : index
    %swap3A_106 = tpu.vector_load %arg6[%swap3A_105] {strides = array<i32>} : memref<512xf32, #tpu.memory_space<vmem>>, vector<16xf32>,
    %swap3A_107 = vector.shape_cast %swap3A_106 : vector<16xf32> to vector<16xf32>
    %swap3A_108 = vector.shape_cast %broadcast_in_dim3A_104 : vector<16xf32> to vector<16xf32>
    tpu.vector_store %arg6[%swap3A_105], %swap3A_108 {strides = array<i32>} : memref<512xf32, #tpu.memory_space<vmem>>, vector<16xf32>,
    %broadcast_in_dim3A_109 = arith.constant 0.000000e+00 : f32
    %broadcast_in_dim3A_110 = vector.broadcast %broadcast_in_dim3A_109 : f32 to vector<16xf32>
    %swap3A_111 = arith.constant 160 : index
    %swap3A_112 = tpu.vector_load %arg6[%swap3A_111] {strides = array<i32>} : memref<512xf32, #tpu.memory_space<vmem>>, vector<16xf32>,
    %swap3A_113 = vector.shape_cast %swap3A_112 : vector<16xf32> to vector<16xf32>
    %swap3A_114 = vector.shape_cast %broadcast_in_dim3A_110 : vector<16xf32> to vector<16xf32>
    tpu.vector_store %arg6[%swap3A_111], %swap3A_114 {strides = array<i32>} : memref<512xf32, #tpu.memory_space<vmem>>, vector<16xf32>,
    %broadcast_in_dim3A_115 = arith.constant 0.000000e+00 : f32
    %broadcast_in_dim3A_116 = vector.broadcast %broadcast_in_dim3A_115 : f32 to vector<16xf32>
    %swap3A_117 = arith.constant 176 : index
    %swap3A_118 = tpu.vector_load %arg6[%swap3A_117] {strides = array<i32>} : memref<512xf32, #tpu.memory_space<vmem>>, vector<16xf32>,
    %swap3A_119 = vector.shape_cast %swap3A_118 : vector<16xf32> to vector<16xf32>
    %swap3A_120 = vector.shape_cast %broadcast_in_dim3A_116 : vector<16xf32> to vector<16xf32>
    tpu.vector_store %arg6[%swap3A_117], %swap3A_120 {strides = array<i32>} : memref<512xf32, #tpu.memory_space<vmem>>, vector<16xf32>,
    %broadcast_in_dim3A_121 = arith.constant 0.000000e+00 : f32
    %broadcast_in_dim3A_122 = vector.broadcast %broadcast_in_dim3A_121 : f32 to vector<16xf32>
    %swap3A_123 = arith.constant 192 : index
    %swap3A_124 = tpu.vector_load %arg6[%swap3A_123] {strides = array<i32>} : memref<512xf32, #tpu.memory_space<vmem>>, vector<16xf32>,
    %swap3A_125 = vector.shape_cast %swap3A_124 : vector<16xf32> to vector<16xf32>
    %swap3A_126 = vector.shape_cast %broadcast_in_dim3A_122 : vector<16xf32> to vector<16xf32>
    tpu.vector_store %arg6[%swap3A_123], %swap3A_126 {strides = array<i32>} : memref<512xf32, #tpu.memory_space<vmem>>, vector<16xf32>,
    %broadcast_in_dim3A_127 = arith.constant 0.000000e+00 : f32
    %broadcast_in_dim3A_128 = vector.broadcast %broadcast_in_dim3A_127 : f32 to vector<16xf32>
    %swap3A_129 = arith.constant 208 : index
    %swap3A_130 = tpu.vector_load %arg6[%swap3A_129] {strides = array<i32>} : memref<512xf32, #tpu.memory_space<vmem>>, vector<16xf32>,
    %swap3A_131 = vector.shape_cast %swap3A_130 : vector<16xf32> to vector<16xf32>
    %swap3A_132 = vector.shape_cast %broadcast_in_dim3A_128 : vector<16xf32> to vector<16xf32>
    tpu.vector_store %arg6[%swap3A_129], %swap3A_132 {strides = array<i32>} : memref<512xf32, #tpu.memory_space<vmem>>, vector<16xf32>,
    %broadcast_in_dim3A_133 = arith.constant 0.000000e+00 : f32
    %broadcast_in_dim3A_134 = vector.broadcast %broadcast_in_dim3A_133 : f32 to vector<16xf32>
    %swap3A_135 = arith.constant 224 : index
    %swap3A_136 = tpu.vector_load %arg6[%swap3A_135] {strides = array<i32>} : memref<512xf32, #tpu.memory_space<vmem>>, vector<16xf32>,
    %swap3A_137 = vector.shape_cast %swap3A_136 : vector<16xf32> to vector<16xf32>
    %swap3A_138 = vector.shape_cast %broadcast_in_dim3A_134 : vector<16xf32> to vector<16xf32>
    tpu.vector_store %arg6[%swap3A_135], %swap3A_138 {strides = array<i32>} : memref<512xf32, #tpu.memory_space<vmem>>, vector<16xf32>,
    %broadcast_in_dim3A_139 = arith.constant 0.000000e+00 : f32
    %broadcast_in_dim3A_140 = vector.broadcast %broadcast_in_dim3A_139 : f32 to vector<16xf32>
    %swap3A_141 = arith.constant 240 : index
    %swap3A_142 = tpu.vector_load %arg6[%swap3A_141] {strides = array<i32>} : memref<512xf32, #tpu.memory_space<vmem>>, vector<16xf32>,
    %swap3A_143 = vector.shape_cast %swap3A_142 : vector<16xf32> to vector<16xf32>
    %swap3A_144 = vector.shape_cast %broadcast_in_dim3A_140 : vector<16xf32> to vector<16xf32>
    tpu.vector_store %arg6[%swap3A_141], %swap3A_144 {strides = array<i32>} : memref<512xf32, #tpu.memory_space<vmem>>, vector<16xf32>,
    %broadcast_in_dim3A_145 = arith.constant 0.000000e+00 : f32
    %broadcast_in_dim3A_146 = vector.broadcast %broadcast_in_dim3A_145 : f32 to vector<16xf32>
    %swap3A_147 = arith.constant 256 : index
    %swap3A_148 = tpu.vector_load %arg6[%swap3A_147] {strides = array<i32>} : memref<512xf32, #tpu.memory_space<vmem>>, vector<16xf32>,
    %swap3A_149 = vector.shape_cast %swap3A_148 : vector<16xf32> to vector<16xf32>
    %swap3A_150 = vector.shape_cast %broadcast_in_dim3A_146 : vector<16xf32> to vector<16xf32>
    tpu.vector_store %arg6[%swap3A_147], %swap3A_150 {strides = array<i32>} : memref<512xf32, #tpu.memory_space<vmem>>, vector<16xf32>,
    %broadcast_in_dim3A_151 = arith.constant 0.000000e+00 : f32
    %broadcast_in_dim3A_152 = vector.broadcast %broadcast_in_dim3A_151 : f32 to vector<16xf32>
    %swap3A_153 = arith.constant 272 : index
    %swap3A_154 = tpu.vector_load %arg6[%swap3A_153] {strides = array<i32>} : memref<512xf32, #tpu.memory_space<vmem>>, vector<16xf32>,
    %swap3A_155 = vector.shape_cast %swap3A_154 : vector<16xf32> to vector<16xf32>
    %swap3A_156 = vector.shape_cast %broadcast_in_dim3A_152 : vector<16xf32> to vector<16xf32>
    tpu.vector_store %arg6[%swap3A_153], %swap3A_156 {strides = array<i32>} : memref<512xf32, #tpu.memory_space<vmem>>, vector<16xf32>,
    %broadcast_in_dim3A_157 = arith.constant 0.000000e+00 : f32
    %broadcast_in_dim3A_158 = vector.broadcast %broadcast_in_dim3A_157 : f32 to vector<16xf32>
    %swap3A_159 = arith.constant 288 : index
    %swap3A_160 = tpu.vector_load %arg6[%swap3A_159] {strides = array<i32>} : memref<512xf32, #tpu.memory_space<vmem>>, vector<16xf32>,
    %swap3A_161 = vector.shape_cast %swap3A_160 : vector<16xf32> to vector<16xf32>
    %swap3A_162 = vector.shape_cast %broadcast_in_dim3A_158 : vector<16xf32> to vector<16xf32>
    tpu.vector_store %arg6[%swap3A_159], %swap3A_162 {strides = array<i32>} : memref<512xf32, #tpu.memory_space<vmem>>, vector<16xf32>,
    %broadcast_in_dim3A_163 = arith.constant 0.000000e+00 : f32
    %broadcast_in_dim3A_164 = vector.broadcast %broadcast_in_dim3A_163 : f32 to vector<16xf32>
    %swap3A_165 = arith.constant 304 : index
    %swap3A_166 = tpu.vector_load %arg6[%swap3A_165] {strides = array<i32>} : memref<512xf32, #tpu.memory_space<vmem>>, vector<16xf32>,
    %swap3A_167 = vector.shape_cast %swap3A_166 : vector<16xf32> to vector<16xf32>
    %swap3A_168 = vector.shape_cast %broadcast_in_dim3A_164 : vector<16xf32> to vector<16xf32>
    tpu.vector_store %arg6[%swap3A_165], %swap3A_168 {strides = array<i32>} : memref<512xf32, #tpu.memory_space<vmem>>, vector<16xf32>,
    %broadcast_in_dim3A_169 = arith.constant 0.000000e+00 : f32
    %broadcast_in_dim3A_170 = vector.broadcast %broadcast_in_dim3A_169 : f32 to vector<16xf32>
    %swap3A_171 = arith.constant 320 : index
    %swap3A_172 = tpu.vector_load %arg6[%swap3A_171] {strides = array<i32>} : memref<512xf32, #tpu.memory_space<vmem>>, vector<16xf32>,
    %swap3A_173 = vector.shape_cast %swap3A_172 : vector<16xf32> to vector<16xf32>
    %swap3A_174 = vector.shape_cast %broadcast_in_dim3A_170 : vector<16xf32> to vector<16xf32>
    tpu.vector_store %arg6[%swap3A_171], %swap3A_174 {strides = array<i32>} : memref<512xf32, #tpu.memory_space<vmem>>, vector<16xf32>,
    %broadcast_in_dim3A_175 = arith.constant 0.000000e+00 : f32
    %broadcast_in_dim3A_176 = vector.broadcast %broadcast_in_dim3A_175 : f32 to vector<16xf32>
    %swap3A_177 = arith.constant 336 : index
    %swap3A_178 = tpu.vector_load %arg6[%swap3A_177] {strides = array<i32>} : memref<512xf32, #tpu.memory_space<vmem>>, vector<16xf32>,
    %swap3A_179 = vector.shape_cast %swap3A_178 : vector<16xf32> to vector<16xf32>
    %swap3A_180 = vector.shape_cast %broadcast_in_dim3A_176 : vector<16xf32> to vector<16xf32>
    tpu.vector_store %arg6[%swap3A_177], %swap3A_180 {strides = array<i32>} : memref<512xf32, #tpu.memory_space<vmem>>, vector<16xf32>,
    %broadcast_in_dim3A_181 = arith.constant 0.000000e+00 : f32
    %broadcast_in_dim3A_182 = vector.broadcast %broadcast_in_dim3A_181 : f32 to vector<16xf32>
    %swap3A_183 = arith.constant 352 : index
    %swap3A_184 = tpu.vector_load %arg6[%swap3A_183] {strides = array<i32>} : memref<512xf32, #tpu.memory_space<vmem>>, vector<16xf32>,
    %swap3A_185 = vector.shape_cast %swap3A_184 : vector<16xf32> to vector<16xf32>
    %swap3A_186 = vector.shape_cast %broadcast_in_dim3A_182 : vector<16xf32> to vector<16xf32>
    tpu.vector_store %arg6[%swap3A_183], %swap3A_186 {strides = array<i32>} : memref<512xf32, #tpu.memory_space<vmem>>, vector<16xf32>,
    %broadcast_in_dim3A_187 = arith.constant 0.000000e+00 : f32
    %broadcast_in_dim3A_188 = vector.broadcast %broadcast_in_dim3A_187 : f32 to vector<16xf32>
    %swap3A_189 = arith.constant 368 : index
    %swap3A_190 = tpu.vector_load %arg6[%swap3A_189] {strides = array<i32>} : memref<512xf32, #tpu.memory_space<vmem>>, vector<16xf32>,
    %swap3A_191 = vector.shape_cast %swap3A_190 : vector<16xf32> to vector<16xf32>
    %swap3A_192 = vector.shape_cast %broadcast_in_dim3A_188 : vector<16xf32> to vector<16xf32>
    tpu.vector_store %arg6[%swap3A_189], %swap3A_192 {strides = array<i32>} : memref<512xf32, #tpu.memory_space<vmem>>, vector<16xf32>,
    %broadcast_in_dim3A_193 = arith.constant 0.000000e+00 : f32
    %broadcast_in_dim3A_194 = vector.broadcast %broadcast_in_dim3A_193 : f32 to vector<16xf32>
    %swap3A_195 = arith.constant 384 : index
    %swap3A_196 = tpu.vector_load %arg6[%swap3A_195] {strides = array<i32>} : memref<512xf32, #tpu.memory_space<vmem>>, vector<16xf32>,
    %swap3A_197 = vector.shape_cast %swap3A_196 : vector<16xf32> to vector<16xf32>
    %swap3A_198 = vector.shape_cast %broadcast_in_dim3A_194 : vector<16xf32> to vector<16xf32>
    tpu.vector_store %arg6[%swap3A_195], %swap3A_198 {strides = array<i32>} : memref<512xf32, #tpu.memory_space<vmem>>, vector<16xf32>,
    %broadcast_in_dim3A_199 = arith.constant 0.000000e+00 : f32
    %broadcast_in_dim3A_200 = vector.broadcast %broadcast_in_dim3A_199 : f32 to vector<16xf32>
    %swap3A_201 = arith.constant 400 : index
    %swap3A_202 = tpu.vector_load %arg6[%swap3A_201] {strides = array<i32>} : memref<512xf32, #tpu.memory_space<vmem>>, vector<16xf32>,
    %swap3A_203 = vector.shape_cast %swap3A_202 : vector<16xf32> to vector<16xf32>
    %swap3A_204 = vector.shape_cast %broadcast_in_dim3A_200 : vector<16xf32> to vector<16xf32>
    tpu.vector_store %arg6[%swap3A_201], %swap3A_204 {strides = array<i32>} : memref<512xf32, #tpu.memory_space<vmem>>, vector<16xf32>,
    %broadcast_in_dim3A_205 = arith.constant 0.000000e+00 : f32
    %broadcast_in_dim3A_206 = vector.broadcast %broadcast_in_dim3A_205 : f32 to vector<16xf32>
    %swap3A_207 = arith.constant 416 : index
    %swap3A_208 = tpu.vector_load %arg6[%swap3A_207] {strides = array<i32>} : memref<512xf32, #tpu.memory_space<vmem>>, vector<16xf32>,
    %swap3A_209 = vector.shape_cast %swap3A_208 : vector<16xf32> to vector<16xf32>
    %swap3A_210 = vector.shape_cast %broadcast_in_dim3A_206 : vector<16xf32> to vector<16xf32>
    tpu.vector_store %arg6[%swap3A_207], %swap3A_210 {strides = array<i32>} : memref<512xf32, #tpu.memory_space<vmem>>, vector<16xf32>,
    %broadcast_in_dim3A_211 = arith.constant 0.000000e+00 : f32
    %broadcast_in_dim3A_212 = vector.broadcast %broadcast_in_dim3A_211 : f32 to vector<16xf32>
    %swap3A_213 = arith.constant 432 : index
    %swap3A_214 = tpu.vector_load %arg6[%swap3A_213] {strides = array<i32>} : memref<512xf32, #tpu.memory_space<vmem>>, vector<16xf32>,
    %swap3A_215 = vector.shape_cast %swap3A_214 : vector<16xf32> to vector<16xf32>
    %swap3A_216 = vector.shape_cast %broadcast_in_dim3A_212 : vector<16xf32> to vector<16xf32>
    tpu.vector_store %arg6[%swap3A_213], %swap3A_216 {strides = array<i32>} : memref<512xf32, #tpu.memory_space<vmem>>, vector<16xf32>,
    %broadcast_in_dim3A_217 = arith.constant 0.000000e+00 : f32
    %broadcast_in_dim3A_218 = vector.broadcast %broadcast_in_dim3A_217 : f32 to vector<16xf32>
    %swap3A_219 = arith.constant 448 : index
    %swap3A_220 = tpu.vector_load %arg6[%swap3A_219] {strides = array<i32>} : memref<512xf32, #tpu.memory_space<vmem>>, vector<16xf32>,
    %swap3A_221 = vector.shape_cast %swap3A_220 : vector<16xf32> to vector<16xf32>
    %swap3A_222 = vector.shape_cast %broadcast_in_dim3A_218 : vector<16xf32> to vector<16xf32>
    tpu.vector_store %arg6[%swap3A_219], %swap3A_222 {strides = array<i32>} : memref<512xf32, #tpu.memory_space<vmem>>, vector<16xf32>,
    %broadcast_in_dim3A_223 = arith.constant 0.000000e+00 : f32
    %broadcast_in_dim3A_224 = vector.broadcast %broadcast_in_dim3A_223 : f32 to vector<16xf32>
    %swap3A_225 = arith.constant 464 : index
    %swap3A_226 = tpu.vector_load %arg6[%swap3A_225] {strides = array<i32>} : memref<512xf32, #tpu.memory_space<vmem>>, vector<16xf32>,
    %swap3A_227 = vector.shape_cast %swap3A_226 : vector<16xf32> to vector<16xf32>
    %swap3A_228 = vector.shape_cast %broadcast_in_dim3A_224 : vector<16xf32> to vector<16xf32>
    tpu.vector_store %arg6[%swap3A_225], %swap3A_228 {strides = array<i32>} : memref<512xf32, #tpu.memory_space<vmem>>, vector<16xf32>,
    %broadcast_in_dim3A_229 = arith.constant 0.000000e+00 : f32
    %broadcast_in_dim3A_230 = vector.broadcast %broadcast_in_dim3A_229 : f32 to vector<16xf32>
    %swap3A_231 = arith.constant 480 : index
    %swap3A_232 = tpu.vector_load %arg6[%swap3A_231] {strides = array<i32>} : memref<512xf32, #tpu.memory_space<vmem>>, vector<16xf32>,
    %swap3A_233 = vector.shape_cast %swap3A_232 : vector<16xf32> to vector<16xf32>
    %swap3A_234 = vector.shape_cast %broadcast_in_dim3A_230 : vector<16xf32> to vector<16xf32>
    tpu.vector_store %arg6[%swap3A_231], %swap3A_234 {strides = array<i32>} : memref<512xf32, #tpu.memory_space<vmem>>, vector<16xf32>,
    %broadcast_in_dim3A_235 = arith.constant 0.000000e+00 : f32
    %broadcast_in_dim3A_236 = vector.broadcast %broadcast_in_dim3A_235 : f32 to vector<16xf32>
    %swap3A_237 = arith.constant 496 : index
    %swap3A_238 = tpu.vector_load %arg6[%swap3A_237] {strides = array<i32>} : memref<512xf32, #tpu.memory_space<vmem>>, vector<16xf32>,
    %swap3A_239 = vector.shape_cast %swap3A_238 : vector<16xf32> to vector<16xf32>
    %swap3A_240 = vector.shape_cast %broadcast_in_dim3A_236 : vector<16xf32> to vector<16xf32>
    tpu.vector_store %arg6[%swap3A_237], %swap3A_240 {strides = array<i32>} : memref<512xf32, #tpu.memory_space<vmem>>, vector<16xf32>,
    %mul3A_241 = arith.constant 512 : i32
    %mul3A_242 = arith.muli %arg1, %mul3A_241 : i32
    "tpu.region"() ({
      %run_scoped3A_249 = tpu.sem_alloc : memref<!tpu.dma_semaphore, #tpu.memory_space<semaphore_mem>>
      %dma_start3A = tpu.memref_slice %arg7[%mul3A_242] : memref<8192xf32, #tpu.memory_space<vmem_shared>> -> memref<512xf32, #tpu.memory_space<vmem_shared>>
      %dma_start3A_250 = tpu.memref_slice %arg7[%mul3A_242] : memref<8192xf32, #tpu.memory_space<vmem_shared>> -> memref<512xf32, #tpu.memory_space<vmem_shared>>
      tpu.enqueue_dma source(%arg6 : memref<512xf32, #tpu.memory_space<vmem>>) target(%dma_start3A_250 : memref<512xf32, #tpu.memory_space<vmem_shared>>) target_semaphore(%run_scoped3A_249 : memref<!tpu.dma_semaphore, #tpu.memory_space<semaphore_mem>>)
      %dma_wait3A = tpu.memref_slice %arg7[%mul3A_242] : memref<8192xf32, #tpu.memory_space<vmem_shared>> -> memref<512xf32, #tpu.memory_space<vmem_shared>>
      %dma_wait3A_251 = tpu.memref_slice %arg7[%mul3A_242] : memref<8192xf32, #tpu.memory_space<vmem_shared>> -> memref<512xf32, #tpu.memory_space<vmem_shared>>
      tpu.wait_dma2 semaphore(%run_scoped3A_249 : memref<!tpu.dma_semaphore, #tpu.memory_space<semaphore_mem>>) src(%arg6 : memref<512xf32, #tpu.memory_space<vmem>>) dst(%dma_wait3A_251 : memref<512xf32, #tpu.memory_space<vmem_shared>>)
      tpu.yield
    }) : () -> ()
    %barrier3A = arith.constant 0 : index
    tpu.barrier barrier_id(%barrier3A)
    %run_scoped3A = arith.constant 0 : i32
    "tpu.region"() ({
      %run_scoped3A_249 = tpu.sem_alloc : memref<!tpu.dma_semaphore, #tpu.memory_space<semaphore_mem>>
      %dma_start3A = arith.constant 0 : i32
      %dma_start3A_250 = tpu.memref_slice %arg4[%run_scoped3A, %dma_start3A] : memref<4x128xi32, #tpu.memory_space<vmem>> -> memref<1x128xi32, #tpu.memory_space<vmem>>
      %dma_start3A_251 = tpu.memref_squeeze %dma_start3A_250 : memref<1x128xi32, #tpu.memory_space<vmem>> -> memref<128xi32, #tpu.memory_space<vmem>>
      %dma_start3A_252 = arith.constant 0 : i32
      %dma_start3A_253 = tpu.memref_slice %arg7[%dma_start3A_252] : memref<8192xf32, #tpu.memory_space<vmem_shared>> -> memref<8192xf32, #tpu.memory_space<vmem_shared>>
      tpu.enqueue_indirect_dma source(%arg5 : memref<128xf32, #tpu.memory_space<vmem>>) target(%dma_start3A_253 : memref<8192xf32, #tpu.memory_space<vmem_shared>>) offsets(%dma_start3A_251 : memref<128xi32, #tpu.memory_space<vmem>>) semaphore(%run_scoped3A_249 : memref<!tpu.dma_semaphore, #tpu.memory_space<semaphore_mem>>) {add = true}
      %dma_wait3A = arith.constant 0 : i32
      %dma_wait3A_254 = tpu.memref_slice %arg4[%run_scoped3A, %dma_wait3A] : memref<4x128xi32, #tpu.memory_space<vmem>> -> memref<1x128xi32, #tpu.memory_space<vmem>>
      %dma_wait3A_255 = tpu.memref_squeeze %dma_wait3A_254 : memref<1x128xi32, #tpu.memory_space<vmem>> -> memref<128xi32, #tpu.memory_space<vmem>>
      %dma_wait3A_256 = arith.constant 0 : i32
      %dma_wait3A_257 = tpu.memref_slice %arg7[%dma_wait3A_256] : memref<8192xf32, #tpu.memory_space<vmem_shared>> -> memref<8192xf32, #tpu.memory_space<vmem_shared>>
      tpu.wait_indirect_dma semaphore(%run_scoped3A_249 : memref<!tpu.dma_semaphore, #tpu.memory_space<semaphore_mem>>) src(%arg5 : memref<128xf32, #tpu.memory_space<vmem>>) dst(%dma_wait3A_257 : memref<8192xf32, #tpu.memory_space<vmem_shared>>)
      tpu.yield
    }) : () -> ()
    %run_scoped3A_243 = arith.constant 1 : i32
    "tpu.region"() ({
      %run_scoped3A_249 = tpu.sem_alloc : memref<!tpu.dma_semaphore, #tpu.memory_space<semaphore_mem>>
      %dma_start3A = arith.constant 0 : i32
      %dma_start3A_250 = tpu.memref_slice %arg4[%run_scoped3A_243, %dma_start3A] : memref<4x128xi32, #tpu.memory_space<vmem>> -> memref<1x128xi32, #tpu.memory_space<vmem>>
      %dma_start3A_251 = tpu.memref_squeeze %dma_start3A_250 : memref<1x128xi32, #tpu.memory_space<vmem>> -> memref<128xi32, #tpu.memory_space<vmem>>
      %dma_start3A_252 = arith.constant 0 : i32
      %dma_start3A_253 = tpu.memref_slice %arg7[%dma_start3A_252] : memref<8192xf32, #tpu.memory_space<vmem_shared>> -> memref<8192xf32, #tpu.memory_space<vmem_shared>>
      tpu.enqueue_indirect_dma source(%arg5 : memref<128xf32, #tpu.memory_space<vmem>>) target(%dma_start3A_253 : memref<8192xf32, #tpu.memory_space<vmem_shared>>) offsets(%dma_start3A_251 : memref<128xi32, #tpu.memory_space<vmem>>) semaphore(%run_scoped3A_249 : memref<!tpu.dma_semaphore, #tpu.memory_space<semaphore_mem>>) {add = true}
      %dma_wait3A = arith.constant 0 : i32
      %dma_wait3A_254 = tpu.memref_slice %arg4[%run_scoped3A_243, %dma_wait3A] : memref<4x128xi32, #tpu.memory_space<vmem>> -> memref<1x128xi32, #tpu.memory_space<vmem>>
      %dma_wait3A_255 = tpu.memref_squeeze %dma_wait3A_254 : memref<1x128xi32, #tpu.memory_space<vmem>> -> memref<128xi32, #tpu.memory_space<vmem>>
      %dma_wait3A_256 = arith.constant 0 : i32
      %dma_wait3A_257 = tpu.memref_slice %arg7[%dma_wait3A_256] : memref<8192xf32, #tpu.memory_space<vmem_shared>> -> memref<8192xf32, #tpu.memory_space<vmem_shared>>
      tpu.wait_indirect_dma semaphore(%run_scoped3A_249 : memref<!tpu.dma_semaphore, #tpu.memory_space<semaphore_mem>>) src(%arg5 : memref<128xf32, #tpu.memory_space<vmem>>) dst(%dma_wait3A_257 : memref<8192xf32, #tpu.memory_space<vmem_shared>>)
      tpu.yield
    }) : () -> ()
    %run_scoped3A_244 = arith.constant 2 : i32
    "tpu.region"() ({
      %run_scoped3A_249 = tpu.sem_alloc : memref<!tpu.dma_semaphore, #tpu.memory_space<semaphore_mem>>
      %dma_start3A = arith.constant 0 : i32
      %dma_start3A_250 = tpu.memref_slice %arg4[%run_scoped3A_244, %dma_start3A] : memref<4x128xi32, #tpu.memory_space<vmem>> -> memref<1x128xi32, #tpu.memory_space<vmem>>
      %dma_start3A_251 = tpu.memref_squeeze %dma_start3A_250 : memref<1x128xi32, #tpu.memory_space<vmem>> -> memref<128xi32, #tpu.memory_space<vmem>>
      %dma_start3A_252 = arith.constant 0 : i32
      %dma_start3A_253 = tpu.memref_slice %arg7[%dma_start3A_252] : memref<8192xf32, #tpu.memory_space<vmem_shared>> -> memref<8192xf32, #tpu.memory_space<vmem_shared>>
      tpu.enqueue_indirect_dma source(%arg5 : memref<128xf32, #tpu.memory_space<vmem>>) target(%dma_start3A_253 : memref<8192xf32, #tpu.memory_space<vmem_shared>>) offsets(%dma_start3A_251 : memref<128xi32, #tpu.memory_space<vmem>>) semaphore(%run_scoped3A_249 : memref<!tpu.dma_semaphore, #tpu.memory_space<semaphore_mem>>) {add = true}
      %dma_wait3A = arith.constant 0 : i32
      %dma_wait3A_254 = tpu.memref_slice %arg4[%run_scoped3A_244, %dma_wait3A] : memref<4x128xi32, #tpu.memory_space<vmem>> -> memref<1x128xi32, #tpu.memory_space<vmem>>
      %dma_wait3A_255 = tpu.memref_squeeze %dma_wait3A_254 : memref<1x128xi32, #tpu.memory_space<vmem>> -> memref<128xi32, #tpu.memory_space<vmem>>
      %dma_wait3A_256 = arith.constant 0 : i32
      %dma_wait3A_257 = tpu.memref_slice %arg7[%dma_wait3A_256] : memref<8192xf32, #tpu.memory_space<vmem_shared>> -> memref<8192xf32, #tpu.memory_space<vmem_shared>>
      tpu.wait_indirect_dma semaphore(%run_scoped3A_249 : memref<!tpu.dma_semaphore, #tpu.memory_space<semaphore_mem>>) src(%arg5 : memref<128xf32, #tpu.memory_space<vmem>>) dst(%dma_wait3A_257 : memref<8192xf32, #tpu.memory_space<vmem_shared>>)
      tpu.yield
    }) : () -> ()
    %run_scoped3A_245 = arith.constant 3 : i32
    "tpu.region"() ({
      %run_scoped3A_249 = tpu.sem_alloc : memref<!tpu.dma_semaphore, #tpu.memory_space<semaphore_mem>>
      %dma_start3A = arith.constant 0 : i32
      %dma_start3A_250 = tpu.memref_slice %arg4[%run_scoped3A_245, %dma_start3A] : memref<4x128xi32, #tpu.memory_space<vmem>> -> memref<1x128xi32, #tpu.memory_space<vmem>>
      %dma_start3A_251 = tpu.memref_squeeze %dma_start3A_250 : memref<1x128xi32, #tpu.memory_space<vmem>> -> memref<128xi32, #tpu.memory_space<vmem>>
      %dma_start3A_252 = arith.constant 0 : i32
      %dma_start3A_253 = tpu.memref_slice %arg7[%dma_start3A_252] : memref<8192xf32, #tpu.memory_space<vmem_shared>> -> memref<8192xf32, #tpu.memory_space<vmem_shared>>
      tpu.enqueue_indirect_dma source(%arg5 : memref<128xf32, #tpu.memory_space<vmem>>) target(%dma_start3A_253 : memref<8192xf32, #tpu.memory_space<vmem_shared>>) offsets(%dma_start3A_251 : memref<128xi32, #tpu.memory_space<vmem>>) semaphore(%run_scoped3A_249 : memref<!tpu.dma_semaphore, #tpu.memory_space<semaphore_mem>>) {add = true}
      %dma_wait3A = arith.constant 0 : i32
      %dma_wait3A_254 = tpu.memref_slice %arg4[%run_scoped3A_245, %dma_wait3A] : memref<4x128xi32, #tpu.memory_space<vmem>> -> memref<1x128xi32, #tpu.memory_space<vmem>>
      %dma_wait3A_255 = tpu.memref_squeeze %dma_wait3A_254 : memref<1x128xi32, #tpu.memory_space<vmem>> -> memref<128xi32, #tpu.memory_space<vmem>>
      %dma_wait3A_256 = arith.constant 0 : i32
      %dma_wait3A_257 = tpu.memref_slice %arg7[%dma_wait3A_256] : memref<8192xf32, #tpu.memory_space<vmem_shared>> -> memref<8192xf32, #tpu.memory_space<vmem_shared>>
      tpu.wait_indirect_dma semaphore(%run_scoped3A_249 : memref<!tpu.dma_semaphore, #tpu.memory_space<semaphore_mem>>) src(%arg5 : memref<128xf32, #tpu.memory_space<vmem>>) dst(%dma_wait3A_257 : memref<8192xf32, #tpu.memory_space<vmem_shared>>)
      tpu.yield
    }) : () -> ()
    %barrier3A_246 = arith.constant 0 : index
    tpu.barrier barrier_id(%barrier3A_246)
    %eq3A = arith.constant 0 : i32
    %eq3A_247 = arith.cmpi eq, %arg1, %eq3A : i32
    %convert_element_type3A = arith.extui %eq3A_247 : i1 to i32
    %cond3A = arith.constant 0 : i32
    %cond3A_248 = arith.cmpi ne, %convert_element_type3A, %cond3A : i32
    scf.if %cond3A_248 {
      "tpu.region"() ({
        %run_scoped3A_249 = tpu.sem_alloc : memref<!tpu.dma_semaphore, #tpu.memory_space<semaphore_mem>>
        %dma_start3A = arith.constant 0 : i32
        %dma_start3A_250 = tpu.memref_slice %arg3[%arg0, %dma_start3A] : memref<2x8192xf32, #tpu.memory_space<hbm>> -> memref<1x8192xf32, #tpu.memory_space<hbm>>
        %dma_start3A_251 = tpu.memref_squeeze %dma_start3A_250 : memref<1x8192xf32, #tpu.memory_space<hbm>> -> memref<8192xf32, #tpu.memory_space<hbm>>
        tpu.enqueue_dma source(%arg7 : memref<8192xf32, #tpu.memory_space<vmem_shared>>) target(%dma_start3A_251 : memref<8192xf32, #tpu.memory_space<hbm>>) target_semaphore(%run_scoped3A_249 : memref<!tpu.dma_semaphore, #tpu.memory_space<semaphore_mem>>)
        %dma_wait3A = arith.constant 0 : i32
        %dma_wait3A_252 = tpu.memref_slice %arg3[%arg0, %dma_wait3A] : memref<2x8192xf32, #tpu.memory_space<hbm>> -> memref<1x8192xf32, #tpu.memory_space<hbm>>
        %dma_wait3A_253 = tpu.memref_squeeze %dma_wait3A_252 : memref<1x8192xf32, #tpu.memory_space<hbm>> -> memref<8192xf32, #tpu.memory_space<hbm>>
        tpu.wait_dma2 semaphore(%run_scoped3A_249 : memref<!tpu.dma_semaphore, #tpu.memory_space<semaphore_mem>>) src(%arg7 : memref<8192xf32, #tpu.memory_space<vmem_shared>>) dst(%dma_wait3A_253 : memref<8192xf32, #tpu.memory_space<hbm>>)
        tpu.yield
      }) : () -> ()
    } else {
    }
    return
  }
}

#map = affine_map<(d0, d1) -> (0, 0)>
module attributes {stable_mosaic.version = 14 : i64} {
  func.func @_gat_body(%arg0: i32, %arg1: i32, %arg2: memref<8192x128xf32, #tpu.memory_space<hbm>>, %arg3: memref<128x128xi32, #tpu.memory_space<hbm>>, %arg4: memref<16384x128xf32, #tpu.memory_space<hbm>>, %arg5: memref<4x128xi32, #tpu.memory_space<vmem>>, %arg6: memref<512x128xf32, #tpu.memory_space<vmem>>, %arg7: memref<!tpu.dma_semaphore, #tpu.memory_space<semaphore_mem>>) attributes {dimension_semantics = [#tpu.dimension_semantics<core_parallel>, #tpu.dimension_semantics<subcore_parallel>], iteration_bounds = array<i64: 2, 16>, scalar_prefetch = 0 : i64, scratch_operands = 3 : i64, tpu.core_type = #tpu.core_type<sc_vector_subcore>, window_params = [{transform_indices = #map}, {transform_indices = #map}, {transform_indices = #map}]} {
    %mul3A = arith.constant 2 : i32
    %mul3A_0 = arith.muli %arg1, %mul3A : i32
    %add3A = arith.addi %mul3A_0, %arg0 : i32
    %mul3A_1 = arith.constant 4 : i32
    %mul3A_2 = arith.muli %add3A, %mul3A_1 : i32
    "tpu.region"() ({
      %run_scoped3A = tpu.sem_alloc : memref<!tpu.dma_semaphore, #tpu.memory_space<semaphore_mem>>
      %dma_start3A_83 = arith.constant 0 : i32
      %dma_start3A_84 = tpu.memref_slice %arg3[%mul3A_2, %dma_start3A_83] : memref<128x128xi32, #tpu.memory_space<hbm>> -> memref<4x128xi32, #tpu.memory_space<hbm>>
      %dma_start3A_85 = arith.constant 0 : i32
      %dma_start3A_86 = tpu.memref_slice %arg3[%mul3A_2, %dma_start3A_85] : memref<128x128xi32, #tpu.memory_space<hbm>> -> memref<4x128xi32, #tpu.memory_space<hbm>>
      tpu.enqueue_dma source(%dma_start3A_86 : memref<4x128xi32, #tpu.memory_space<hbm>>) target(%arg5 : memref<4x128xi32, #tpu.memory_space<vmem>>) target_semaphore(%run_scoped3A : memref<!tpu.dma_semaphore, #tpu.memory_space<semaphore_mem>>)
      %dma_wait3A_87 = arith.constant 0 : i32
      %dma_wait3A_88 = tpu.memref_slice %arg3[%mul3A_2, %dma_wait3A_87] : memref<128x128xi32, #tpu.memory_space<hbm>> -> memref<4x128xi32, #tpu.memory_space<hbm>>
      %dma_wait3A_89 = arith.constant 0 : i32
      %dma_wait3A_90 = tpu.memref_slice %arg3[%mul3A_2, %dma_wait3A_89] : memref<128x128xi32, #tpu.memory_space<hbm>> -> memref<4x128xi32, #tpu.memory_space<hbm>>
      tpu.wait_dma2 semaphore(%run_scoped3A : memref<!tpu.dma_semaphore, #tpu.memory_space<semaphore_mem>>) src(%dma_wait3A_90 : memref<4x128xi32, #tpu.memory_space<hbm>>) dst(%arg5 : memref<4x128xi32, #tpu.memory_space<vmem>>)
      tpu.yield
    }) : () -> ()
    %dma_start3A = arith.constant 0 : i32
    %dma_start3A_3 = arith.constant 0 : i32
    %dma_start3A_4 = arith.constant 0 : i32
    %dma_start3A_5 = tpu.memref_slice %arg6[%dma_start3A_3, %dma_start3A_4] : memref<512x128xf32, #tpu.memory_space<vmem>> -> memref<128x128xf32, #tpu.memory_space<vmem>>
    %dma_start3A_6 = arith.constant 0 : i32
    %dma_start3A_7 = tpu.memref_slice %arg5[%dma_start3A, %dma_start3A_6] : memref<4x128xi32, #tpu.memory_space<vmem>> -> memref<1x128xi32, #tpu.memory_space<vmem>>
    %dma_start3A_8 = tpu.memref_squeeze %dma_start3A_7 : memref<1x128xi32, #tpu.memory_space<vmem>> -> memref<128xi32, #tpu.memory_space<vmem>>
    %dma_start3A_9 = arith.constant 0 : i32
    %dma_start3A_10 = arith.constant 0 : i32
    %dma_start3A_11 = tpu.memref_slice %arg2[%dma_start3A_9, %dma_start3A_10] : memref<8192x128xf32, #tpu.memory_space<hbm>> -> memref<8192x128xf32, #tpu.memory_space<hbm>>
    tpu.enqueue_indirect_dma source(%dma_start3A_11 : memref<8192x128xf32, #tpu.memory_space<hbm>>) target(%dma_start3A_5 : memref<128x128xf32, #tpu.memory_space<vmem>>) offsets(%dma_start3A_8 : memref<128xi32, #tpu.memory_space<vmem>>) semaphore(%arg7 : memref<!tpu.dma_semaphore, #tpu.memory_space<semaphore_mem>>)
    %dma_wait3A = arith.constant 0 : i32
    %dma_wait3A_12 = arith.constant 0 : i32
    %dma_wait3A_13 = arith.constant 0 : i32
    %dma_wait3A_14 = tpu.memref_slice %arg6[%dma_wait3A_12, %dma_wait3A_13] : memref<512x128xf32, #tpu.memory_space<vmem>> -> memref<128x128xf32, #tpu.memory_space<vmem>>
    %dma_wait3A_15 = arith.constant 0 : i32
    %dma_wait3A_16 = tpu.memref_slice %arg5[%dma_wait3A, %dma_wait3A_15] : memref<4x128xi32, #tpu.memory_space<vmem>> -> memref<1x128xi32, #tpu.memory_space<vmem>>
    %dma_wait3A_17 = tpu.memref_squeeze %dma_wait3A_16 : memref<1x128xi32, #tpu.memory_space<vmem>> -> memref<128xi32, #tpu.memory_space<vmem>>
    %dma_wait3A_18 = arith.constant 0 : i32
    %dma_wait3A_19 = arith.constant 0 : i32
    %dma_wait3A_20 = tpu.memref_slice %arg2[%dma_wait3A_18, %dma_wait3A_19] : memref<8192x128xf32, #tpu.memory_space<hbm>> -> memref<8192x128xf32, #tpu.memory_space<hbm>>
    tpu.wait_indirect_dma semaphore(%arg7 : memref<!tpu.dma_semaphore, #tpu.memory_space<semaphore_mem>>) src(%dma_wait3A_20 : memref<8192x128xf32, #tpu.memory_space<hbm>>) dst(%dma_wait3A_14 : memref<128x128xf32, #tpu.memory_space<vmem>>)
    %dma_start3A_21 = arith.constant 1 : i32
    %dma_start3A_22 = arith.constant 128 : i32
    %dma_start3A_23 = arith.constant 0 : i32
    %dma_start3A_24 = tpu.memref_slice %arg6[%dma_start3A_22, %dma_start3A_23] : memref<512x128xf32, #tpu.memory_space<vmem>> -> memref<128x128xf32, #tpu.memory_space<vmem>>
    %dma_start3A_25 = arith.constant 0 : i32
    %dma_start3A_26 = tpu.memref_slice %arg5[%dma_start3A_21, %dma_start3A_25] : memref<4x128xi32, #tpu.memory_space<vmem>> -> memref<1x128xi32, #tpu.memory_space<vmem>>
    %dma_start3A_27 = tpu.memref_squeeze %dma_start3A_26 : memref<1x128xi32, #tpu.memory_space<vmem>> -> memref<128xi32, #tpu.memory_space<vmem>>
    %dma_start3A_28 = arith.constant 0 : i32
    %dma_start3A_29 = arith.constant 0 : i32
    %dma_start3A_30 = tpu.memref_slice %arg2[%dma_start3A_28, %dma_start3A_29] : memref<8192x128xf32, #tpu.memory_space<hbm>> -> memref<8192x128xf32, #tpu.memory_space<hbm>>
    tpu.enqueue_indirect_dma source(%dma_start3A_30 : memref<8192x128xf32, #tpu.memory_space<hbm>>) target(%dma_start3A_24 : memref<128x128xf32, #tpu.memory_space<vmem>>) offsets(%dma_start3A_27 : memref<128xi32, #tpu.memory_space<vmem>>) semaphore(%arg7 : memref<!tpu.dma_semaphore, #tpu.memory_space<semaphore_mem>>)
    %dma_wait3A_31 = arith.constant 1 : i32
    %dma_wait3A_32 = arith.constant 128 : i32
    %dma_wait3A_33 = arith.constant 0 : i32
    %dma_wait3A_34 = tpu.memref_slice %arg6[%dma_wait3A_32, %dma_wait3A_33] : memref<512x128xf32, #tpu.memory_space<vmem>> -> memref<128x128xf32, #tpu.memory_space<vmem>>
    %dma_wait3A_35 = arith.constant 0 : i32
    %dma_wait3A_36 = tpu.memref_slice %arg5[%dma_wait3A_31, %dma_wait3A_35] : memref<4x128xi32, #tpu.memory_space<vmem>> -> memref<1x128xi32, #tpu.memory_space<vmem>>
    %dma_wait3A_37 = tpu.memref_squeeze %dma_wait3A_36 : memref<1x128xi32, #tpu.memory_space<vmem>> -> memref<128xi32, #tpu.memory_space<vmem>>
    %dma_wait3A_38 = arith.constant 0 : i32
    %dma_wait3A_39 = arith.constant 0 : i32
    %dma_wait3A_40 = tpu.memref_slice %arg2[%dma_wait3A_38, %dma_wait3A_39] : memref<8192x128xf32, #tpu.memory_space<hbm>> -> memref<8192x128xf32, #tpu.memory_space<hbm>>
    tpu.wait_indirect_dma semaphore(%arg7 : memref<!tpu.dma_semaphore, #tpu.memory_space<semaphore_mem>>) src(%dma_wait3A_40 : memref<8192x128xf32, #tpu.memory_space<hbm>>) dst(%dma_wait3A_34 : memref<128x128xf32, #tpu.memory_space<vmem>>)
    %dma_start3A_41 = arith.constant 2 : i32
    %dma_start3A_42 = arith.constant 256 : i32
    %dma_start3A_43 = arith.constant 0 : i32
    %dma_start3A_44 = tpu.memref_slice %arg6[%dma_start3A_42, %dma_start3A_43] : memref<512x128xf32, #tpu.memory_space<vmem>> -> memref<128x128xf32, #tpu.memory_space<vmem>>
    %dma_start3A_45 = arith.constant 0 : i32
    %dma_start3A_46 = tpu.memref_slice %arg5[%dma_start3A_41, %dma_start3A_45] : memref<4x128xi32, #tpu.memory_space<vmem>> -> memref<1x128xi32, #tpu.memory_space<vmem>>
    %dma_start3A_47 = tpu.memref_squeeze %dma_start3A_46 : memref<1x128xi32, #tpu.memory_space<vmem>> -> memref<128xi32, #tpu.memory_space<vmem>>
    %dma_start3A_48 = arith.constant 0 : i32
    %dma_start3A_49 = arith.constant 0 : i32
    %dma_start3A_50 = tpu.memref_slice %arg2[%dma_start3A_48, %dma_start3A_49] : memref<8192x128xf32, #tpu.memory_space<hbm>> -> memref<8192x128xf32, #tpu.memory_space<hbm>>
    tpu.enqueue_indirect_dma source(%dma_start3A_50 : memref<8192x128xf32, #tpu.memory_space<hbm>>) target(%dma_start3A_44 : memref<128x128xf32, #tpu.memory_space<vmem>>) offsets(%dma_start3A_47 : memref<128xi32, #tpu.memory_space<vmem>>) semaphore(%arg7 : memref<!tpu.dma_semaphore, #tpu.memory_space<semaphore_mem>>)
    %dma_wait3A_51 = arith.constant 2 : i32
    %dma_wait3A_52 = arith.constant 256 : i32
    %dma_wait3A_53 = arith.constant 0 : i32
    %dma_wait3A_54 = tpu.memref_slice %arg6[%dma_wait3A_52, %dma_wait3A_53] : memref<512x128xf32, #tpu.memory_space<vmem>> -> memref<128x128xf32, #tpu.memory_space<vmem>>
    %dma_wait3A_55 = arith.constant 0 : i32
    %dma_wait3A_56 = tpu.memref_slice %arg5[%dma_wait3A_51, %dma_wait3A_55] : memref<4x128xi32, #tpu.memory_space<vmem>> -> memref<1x128xi32, #tpu.memory_space<vmem>>
    %dma_wait3A_57 = tpu.memref_squeeze %dma_wait3A_56 : memref<1x128xi32, #tpu.memory_space<vmem>> -> memref<128xi32, #tpu.memory_space<vmem>>
    %dma_wait3A_58 = arith.constant 0 : i32
    %dma_wait3A_59 = arith.constant 0 : i32
    %dma_wait3A_60 = tpu.memref_slice %arg2[%dma_wait3A_58, %dma_wait3A_59] : memref<8192x128xf32, #tpu.memory_space<hbm>> -> memref<8192x128xf32, #tpu.memory_space<hbm>>
    tpu.wait_indirect_dma semaphore(%arg7 : memref<!tpu.dma_semaphore, #tpu.memory_space<semaphore_mem>>) src(%dma_wait3A_60 : memref<8192x128xf32, #tpu.memory_space<hbm>>) dst(%dma_wait3A_54 : memref<128x128xf32, #tpu.memory_space<vmem>>)
    %dma_start3A_61 = arith.constant 3 : i32
    %dma_start3A_62 = arith.constant 384 : i32
    %dma_start3A_63 = arith.constant 0 : i32
    %dma_start3A_64 = tpu.memref_slice %arg6[%dma_start3A_62, %dma_start3A_63] : memref<512x128xf32, #tpu.memory_space<vmem>> -> memref<128x128xf32, #tpu.memory_space<vmem>>
    %dma_start3A_65 = arith.constant 0 : i32
    %dma_start3A_66 = tpu.memref_slice %arg5[%dma_start3A_61, %dma_start3A_65] : memref<4x128xi32, #tpu.memory_space<vmem>> -> memref<1x128xi32, #tpu.memory_space<vmem>>
    %dma_start3A_67 = tpu.memref_squeeze %dma_start3A_66 : memref<1x128xi32, #tpu.memory_space<vmem>> -> memref<128xi32, #tpu.memory_space<vmem>>
    %dma_start3A_68 = arith.constant 0 : i32
    %dma_start3A_69 = arith.constant 0 : i32
    %dma_start3A_70 = tpu.memref_slice %arg2[%dma_start3A_68, %dma_start3A_69] : memref<8192x128xf32, #tpu.memory_space<hbm>> -> memref<8192x128xf32, #tpu.memory_space<hbm>>
    tpu.enqueue_indirect_dma source(%dma_start3A_70 : memref<8192x128xf32, #tpu.memory_space<hbm>>) target(%dma_start3A_64 : memref<128x128xf32, #tpu.memory_space<vmem>>) offsets(%dma_start3A_67 : memref<128xi32, #tpu.memory_space<vmem>>) semaphore(%arg7 : memref<!tpu.dma_semaphore, #tpu.memory_space<semaphore_mem>>)
    %dma_wait3A_71 = arith.constant 3 : i32
    %dma_wait3A_72 = arith.constant 384 : i32
    %dma_wait3A_73 = arith.constant 0 : i32
    %dma_wait3A_74 = tpu.memref_slice %arg6[%dma_wait3A_72, %dma_wait3A_73] : memref<512x128xf32, #tpu.memory_space<vmem>> -> memref<128x128xf32, #tpu.memory_space<vmem>>
    %dma_wait3A_75 = arith.constant 0 : i32
    %dma_wait3A_76 = tpu.memref_slice %arg5[%dma_wait3A_71, %dma_wait3A_75] : memref<4x128xi32, #tpu.memory_space<vmem>> -> memref<1x128xi32, #tpu.memory_space<vmem>>
    %dma_wait3A_77 = tpu.memref_squeeze %dma_wait3A_76 : memref<1x128xi32, #tpu.memory_space<vmem>> -> memref<128xi32, #tpu.memory_space<vmem>>
    %dma_wait3A_78 = arith.constant 0 : i32
    %dma_wait3A_79 = arith.constant 0 : i32
    %dma_wait3A_80 = tpu.memref_slice %arg2[%dma_wait3A_78, %dma_wait3A_79] : memref<8192x128xf32, #tpu.memory_space<hbm>> -> memref<8192x128xf32, #tpu.memory_space<hbm>>
    tpu.wait_indirect_dma semaphore(%arg7 : memref<!tpu.dma_semaphore, #tpu.memory_space<semaphore_mem>>) src(%dma_wait3A_80 : memref<8192x128xf32, #tpu.memory_space<hbm>>) dst(%dma_wait3A_74 : memref<128x128xf32, #tpu.memory_space<vmem>>)
    %mul3A_81 = arith.constant 512 : i32
    %mul3A_82 = arith.muli %add3A, %mul3A_81 : i32
    "tpu.region"() ({
      %run_scoped3A = tpu.sem_alloc : memref<!tpu.dma_semaphore, #tpu.memory_space<semaphore_mem>>
      %dma_start3A_83 = arith.constant 0 : i32
      %dma_start3A_84 = tpu.memref_slice %arg4[%mul3A_82, %dma_start3A_83] : memref<16384x128xf32, #tpu.memory_space<hbm>> -> memref<512x128xf32, #tpu.memory_space<hbm>>
      %dma_start3A_85 = arith.constant 0 : i32
      %dma_start3A_86 = tpu.memref_slice %arg4[%mul3A_82, %dma_start3A_85] : memref<16384x128xf32, #tpu.memory_space<hbm>> -> memref<512x128xf32, #tpu.memory_space<hbm>>
      tpu.enqueue_dma source(%arg6 : memref<512x128xf32, #tpu.memory_space<vmem>>) target(%dma_start3A_86 : memref<512x128xf32, #tpu.memory_space<hbm>>) target_semaphore(%run_scoped3A : memref<!tpu.dma_semaphore, #tpu.memory_space<semaphore_mem>>)
      %dma_wait3A_87 = arith.constant 0 : i32
      %dma_wait3A_88 = tpu.memref_slice %arg4[%mul3A_82, %dma_wait3A_87] : memref<16384x128xf32, #tpu.memory_space<hbm>> -> memref<512x128xf32, #tpu.memory_space<hbm>>
      %dma_wait3A_89 = arith.constant 0 : i32
      %dma_wait3A_90 = tpu.memref_slice %arg4[%mul3A_82, %dma_wait3A_89] : memref<16384x128xf32, #tpu.memory_space<hbm>> -> memref<512x128xf32, #tpu.memory_space<hbm>>
      tpu.wait_dma2 semaphore(%run_scoped3A : memref<!tpu.dma_semaphore, #tpu.memory_space<semaphore_mem>>) src(%arg6 : memref<512x128xf32, #tpu.memory_space<vmem>>) dst(%dma_wait3A_90 : memref<512x128xf32, #tpu.memory_space<hbm>>)
      tpu.yield
    }) : () -> ()
    return
  }
}

module attributes {stable_mosaic.version = 14 : i64} {
  func.func @_fin_body(%arg0: i32, %arg1: memref<64x2048xf32, #tpu.memory_space<vmem>>, %arg2: memref<2048x128xf32, #tpu.memory_space<vmem>>, %arg3: memref<64x2048xf32, #tpu.memory_space<vmem>>, %arg4: memref<1x1xf32, #tpu.memory_space<smem>>, %arg5: memref<1x1xf32, #tpu.memory_space<smem>>, %arg6: memref<1xf32, #tpu.memory_space<smem>>) attributes {dimension_semantics = [#tpu.dimension_semantics<arbitrary>], iteration_bounds = array<i64: 8>, scalar_prefetch = 0 : i64, scratch_operands = 1 : i64, tpu.core_type = #tpu.core_type<tc>, window_params = [{transform_indices = @transform_0, window_bounds = array<i64: 64, 2048>}, {transform_indices = @transform_1, window_bounds = array<i64: 2048, 128>}, {transform_indices = @transform_2, window_bounds = array<i64: 64, 2048>}, {transform_indices = @transform_3, window_bounds = array<i64: 1, 1>}, {transform_indices = @transform_4, window_bounds = array<i64: 1, 1>}]} {
    %get3A = arith.constant 0 : index
    %get3A_0 = arith.constant 0 : index
    %get3A_1 = vector.load %arg1[%get3A, %get3A_0] : memref<64x2048xf32, #tpu.memory_space<vmem>>, vector<64x2048xf32>
    %get3A_2 = arith.constant 0 : index
    %get3A_3 = arith.constant 0 : index
    %get3A_4 = vector.load %arg2[%get3A_2, %get3A_3] : memref<2048x128xf32, #tpu.memory_space<vmem>>, vector<2048x64xf32>
    %transpose3A = tpu.transpose %get3A_4, [1, 0] : vector<2048x64xf32> -> vector<64x2048xf32>
    %sub3A = arith.subf %transpose3A, %get3A_1 : vector<64x2048xf32>
    %add3A = arith.addf %get3A_1, %sub3A : vector<64x2048xf32>
    %swap3A = arith.constant 0 : index
    %swap3A_5 = arith.constant 0 : index
    %swap3A_6 = vector.load %arg3[%swap3A, %swap3A_5] : memref<64x2048xf32, #tpu.memory_space<vmem>>, vector<64x2048xf32>
    tpu.vector_store %arg3[%swap3A, %swap3A_5], %add3A {strides = array<i32>} : memref<64x2048xf32, #tpu.memory_space<vmem>>, vector<64x2048xf32>,
    %sub3A_7 = arith.subf %get3A_1, %transpose3A : vector<64x2048xf32>
    %mul3A = arith.mulf %sub3A_7, %sub3A_7 : vector<64x2048xf32>
    %reduce_sum3A = vector.shape_cast %mul3A : vector<64x2048xf32> to vector<1x64x2048xf32>
    %reduce_sum3A_8 = arith.constant dense<0.000000e+00> : vector<1xf32>
    %reduce_sum3A_9 = vector.multi_reduction <add>, %reduce_sum3A, %reduce_sum3A_8 [1, 2] : vector<1x64x2048xf32> to vector<1xf32>
    %reduce_sum3A_10 = vector.shape_cast %reduce_sum3A_9 : vector<1xf32> to vector<1x1x1xf32>
    %reduce_sum3A_11 = vector.extract %reduce_sum3A_10[0, 0, 0] : f32 from vector<1x1x1xf32>
    %eq3A = arith.constant 0 : i32
    %eq3A_12 = arith.cmpi eq, %arg0, %eq3A : i32
    %convert_element_type3A = arith.extui %eq3A_12 : i1 to i32
    %cond3A = arith.constant 0 : i32
    %cond3A_13 = arith.cmpi ne, %convert_element_type3A, %cond3A : i32
    scf.if %cond3A_13 {
      %swap3A_23 = arith.constant 0 : index
      %swap3A_24 = memref.load %arg6[%swap3A_23] : memref<1xf32, #tpu.memory_space<smem>>
      memref.store %reduce_sum3A_11, %arg6[%swap3A_23] : memref<1xf32, #tpu.memory_space<smem>>
    } else {
    }
    %gt3A = arith.constant 0 : i32
    %gt3A_14 = arith.cmpi sgt, %arg0, %gt3A : i32
    %convert_element_type3A_15 = arith.extui %gt3A_14 : i1 to i32
    %cond3A_16 = arith.constant 0 : i32
    %cond3A_17 = arith.cmpi ne, %convert_element_type3A_15, %cond3A_16 : i32
    scf.if %cond3A_17 {
      %get3A_23 = arith.constant 0 : index
      %get3A_24 = memref.load %arg6[%get3A_23] : memref<1xf32, #tpu.memory_space<smem>>
      %add3A_25 = arith.addf %get3A_24, %reduce_sum3A_11 : f32
      %swap3A_26 = arith.constant 0 : index
      %swap3A_27 = memref.load %arg6[%swap3A_26] : memref<1xf32, #tpu.memory_space<smem>>
      memref.store %add3A_25, %arg6[%swap3A_26] : memref<1xf32, #tpu.memory_space<smem>>
    } else {
    }
    %eq3A_18 = arith.constant 7 : i32
    %eq3A_19 = arith.cmpi eq, %arg0, %eq3A_18 : i32
    %convert_element_type3A_20 = arith.extui %eq3A_19 : i1 to i32
    %cond3A_21 = arith.constant 0 : i32
    %cond3A_22 = arith.cmpi ne, %convert_element_type3A_20, %cond3A_21 : i32
    scf.if %cond3A_22 {
      %get3A_23 = arith.constant 0 : index
      %get3A_24 = memref.load %arg6[%get3A_23] : memref<1xf32, #tpu.memory_space<smem>>
      %mul3A_25 = arith.constant 9.53674316E-7 : f32
      %mul3A_26 = arith.mulf %get3A_24, %mul3A_25 : f32
      %mul3A_27 = arith.constant 2.500000e-01 : f32
      %mul3A_28 = arith.mulf %mul3A_27, %mul3A_26 : f32
      %swap3A_29 = arith.constant 0 : index
      %swap3A_30 = arith.constant 0 : index
      %swap3A_31 = memref.load %arg4[%swap3A_29, %swap3A_30] : memref<1x1xf32, #tpu.memory_space<smem>>
      memref.store %mul3A_28, %arg4[%swap3A_29, %swap3A_30] : memref<1x1xf32, #tpu.memory_space<smem>>
      %swap3A_32 = arith.constant 0 : index
      %swap3A_33 = arith.constant 0 : index
      %swap3A_34 = memref.load %arg5[%swap3A_32, %swap3A_33] : memref<1x1xf32, #tpu.memory_space<smem>>
      memref.store %mul3A_26, %arg5[%swap3A_32, %swap3A_33] : memref<1x1xf32, #tpu.memory_space<smem>>
    } else {
    }
    return
  }
  func.func @transform_0(%arg0: i32) -> (i32, i32) {
    %c0_i32 = arith.constant 0 : i32
    %c0_i32_0 = arith.constant 0 : i32
    return %c0_i32, %arg0 : i32, i32
  }
  func.func @transform_1(%arg0: i32) -> (i32, i32) {
    %c0_i32 = arith.constant 0 : i32
    %c0_i32_0 = arith.constant 0 : i32
    return %arg0, %c0_i32 : i32, i32
  }
  func.func @transform_2(%arg0: i32) -> (i32, i32) {
    %c0_i32 = arith.constant 0 : i32
    %c0_i32_0 = arith.constant 0 : i32
    return %c0_i32, %arg0 : i32, i32
  }
  func.func @transform_3(%arg0: i32) -> (i32, i32) {
    %c0_i32 = arith.constant 0 : i32
    %c0_i32_0 = arith.constant 0 : i32
    %c0_i32_1 = arith.constant 0 : i32
    return %c0_i32, %c0_i32_0 : i32, i32
  }
  func.func @transform_4(%arg0: i32) -> (i32, i32) {
    %c0_i32 = arith.constant 0 : i32
    %c0_i32_0 = arith.constant 0 : i32
    %c0_i32_1 = arith.constant 0 : i32
    return %c0_i32, %c0_i32_0 : i32, i32
  }
}

module attributes {stable_mosaic.version = 14 : i64} {
  func.func @_main_body(%arg0: i32, %arg1: memref<64x1024xf32, #tpu.memory_space<vmem>>, %arg2: memref<8192x128xf32, #tpu.memory_space<vmem>>, %arg3: memref<64x1024xf32, #tpu.memory_space<vmem>>, %arg4: memref<1024xi32, #tpu.memory_space<vmem>>) attributes {dimension_semantics = [#tpu.dimension_semantics<parallel>], iteration_bounds = array<i64: 16>, scalar_prefetch = 0 : i64, scratch_operands = 0 : i64, tpu.core_type = #tpu.core_type<tc>, window_params = [{transform_indices = @transform_0, window_bounds = array<i64: 64, 1024>}, {pipeline_mode = #tpu.pipeline_mode<synchronous>, transform_indices = @transform_1, window_bounds = array<i64: 8192, 128>}, {transform_indices = @transform_2, window_bounds = array<i64: 64, 1024>}, {transform_indices = @transform_3, window_bounds = array<i64: 1024>}]} {
    %get3A = arith.constant 0 : index
    %get3A_0 = arith.constant 0 : index
    %get3A_1 = vector.load %arg1[%get3A, %get3A_0] : memref<64x1024xf32, #tpu.memory_space<vmem>>, vector<64x1024xf32>
    %mul3A = arith.mulf %get3A_1, %get3A_1 : vector<64x1024xf32>
    %reduce_sum3A = arith.constant dense<0.000000e+00> : vector<1024xf32>
    %reduce_sum3A_2 = vector.multi_reduction <add>, %mul3A, %reduce_sum3A [0] : vector<64x1024xf32> to vector<1024xf32>
    %broadcast_in_dim3A = vector.shape_cast %reduce_sum3A_2 : vector<1024xf32> to vector<1x1024xf32>
    %sqrt3A = math.sqrt %broadcast_in_dim3A : vector<1x1024xf32>
    %max3A = arith.constant 9.99999996E-13 : f32
    %max3A_3 = vector.broadcast %max3A : f32 to vector<1x1024xf32>
    %max3A_4 = arith.maximumf %sqrt3A, %max3A_3 : vector<1x1024xf32>
    %div3A = vector.broadcast %max3A_4 : vector<1x1024xf32> to vector<64x1024xf32>
    %div3A_5 = arith.divf %get3A_1, %div3A : vector<64x1024xf32>
    %swap3A = arith.constant 0 : index
    %swap3A_6 = arith.constant 0 : index
    %swap3A_7 = vector.load %arg3[%swap3A, %swap3A_6] : memref<64x1024xf32, #tpu.memory_space<vmem>>, vector<64x1024xf32>
    tpu.vector_store %arg3[%swap3A, %swap3A_6], %div3A_5 {strides = array<i32>} : memref<64x1024xf32, #tpu.memory_space<vmem>>, vector<64x1024xf32>,
    %get3A_8 = arith.constant 0 : index
    %get3A_9 = arith.constant 0 : index
    %get3A_10 = vector.load %arg2[%get3A_8, %get3A_9] : memref<8192x128xf32, #tpu.memory_space<vmem>>, vector<8192x64xf32>
    %dot_general3A = arith.constant dense<0.000000e+00> : vector<1024x8192xf32>
    %dot_general3A_11 = tpu.matmul %div3A_5, %get3A_10, %dot_general3A {dimension_numbers = #tpu.dot_dimension_numbers<[0], [1], [1], [0], [0, 1, 1, 0], [], []>, transpose_lhs_hint = false} : vector<64x1024xf32>, vector<8192x64xf32>, vector<1024x8192xf32> -> vector<1024x8192xf32>
    %argmax3A = tpu.reduce_index %dot_general3A_11 {axis = 1 : i32, kind = #tpu.reduction_kind<arg_max>} : vector<1024x8192xf32> -> vector<1024xi32>
    %swap3A_12 = arith.constant 0 : index
    %swap3A_13 = vector.load %arg4[%swap3A_12] : memref<1024xi32, #tpu.memory_space<vmem>>, vector<1024xi32>
    tpu.vector_store %arg4[%swap3A_12], %argmax3A {strides = array<i32>} : memref<1024xi32, #tpu.memory_space<vmem>>, vector<1024xi32>,
    return
  }
  func.func @transform_0(%arg0: i32) -> (i32, i32) {
    %c0_i32 = arith.constant 0 : i32
    %c0_i32_0 = arith.constant 0 : i32
    return %c0_i32, %arg0 : i32, i32
  }
  func.func @transform_1(%arg0: i32) -> (i32, i32) {
    %c0_i32 = arith.constant 0 : i32
    %c0_i32_0 = arith.constant 0 : i32
    %c0_i32_1 = arith.constant 0 : i32
    return %c0_i32, %c0_i32_0 : i32, i32
  }
  func.func @transform_2(%arg0: i32) -> (i32, i32) {
    %c0_i32 = arith.constant 0 : i32
    %c0_i32_0 = arith.constant 0 : i32
    return %c0_i32, %arg0 : i32, i32
  }
  func.func @transform_3(%arg0: i32) -> i32 {
    %c0_i32 = arith.constant 0 : i32
    return %arg0 : i32
  }
}

module attributes {stable_mosaic.version = 14 : i64} {
  func.func @_prep_body(%arg0: memref<64x8192xf32, #tpu.memory_space<vmem>>, %arg1: memref<8192x128xf32, #tpu.memory_space<vmem>>) attributes {dimension_semantics = [], scalar_prefetch = 0 : i64, scratch_operands = 0 : i64, tpu.core_type = #tpu.core_type<tc>} {
    %get3A = arith.constant 0 : index
    %get3A_0 = arith.constant 0 : index
    %get3A_1 = vector.load %arg0[%get3A, %get3A_0] : memref<64x8192xf32, #tpu.memory_space<vmem>>, vector<64x8192xf32>
    %mul3A = arith.mulf %get3A_1, %get3A_1 : vector<64x8192xf32>
    %reduce_sum3A = arith.constant dense<0.000000e+00> : vector<8192xf32>
    %reduce_sum3A_2 = vector.multi_reduction <add>, %mul3A, %reduce_sum3A [0] : vector<64x8192xf32> to vector<8192xf32>
    %broadcast_in_dim3A = vector.shape_cast %reduce_sum3A_2 : vector<8192xf32> to vector<1x8192xf32>
    %sqrt3A = math.sqrt %broadcast_in_dim3A : vector<1x8192xf32>
    %max3A = arith.constant 9.99999996E-13 : f32
    %max3A_3 = vector.broadcast %max3A : f32 to vector<1x8192xf32>
    %max3A_4 = arith.maximumf %sqrt3A, %max3A_3 : vector<1x8192xf32>
    %div3A = vector.broadcast %max3A_4 : vector<1x8192xf32> to vector<64x8192xf32>
    %div3A_5 = arith.divf %get3A_1, %div3A : vector<64x8192xf32>
    %transpose3A = tpu.transpose %div3A_5, [1, 0] : vector<64x8192xf32> -> vector<8192x64xf32>
    %swap3A = arith.constant 0 : index
    %swap3A_6 = arith.constant 0 : index
    %swap3A_7 = vector.load %arg1[%swap3A, %swap3A_6] : memref<8192x128xf32, #tpu.memory_space<vmem>>, vector<8192x64xf32>
    tpu.vector_store %arg1[%swap3A, %swap3A_6], %transpose3A {strides = array<i32>} : memref<8192x128xf32, #tpu.memory_space<vmem>>, vector<8192x64xf32>,
    %broadcast_in_dim3A_8 = arith.constant 0.000000e+00 : f32
    %broadcast_in_dim3A_9 = vector.broadcast %broadcast_in_dim3A_8 : f32 to vector<8192x64xf32>
    %swap3A_10 = arith.constant 0 : index
    %swap3A_11 = arith.constant 64 : index
    %swap3A_12 = vector.load %arg1[%swap3A_10, %swap3A_11] : memref<8192x128xf32, #tpu.memory_space<vmem>>, vector<8192x64xf32>
    tpu.vector_store %arg1[%swap3A_10, %swap3A_11], %broadcast_in_dim3A_9 {strides = array<i32>} : memref<8192x128xf32, #tpu.memory_space<vmem>>, vector<8192x64xf32>,
    return
  }
}

module attributes {stable_mosaic.version = 14 : i64} {
  func.func @_pp_body(%arg0: memref<2x8192xf32, #tpu.memory_space<vmem>>, %arg1: memref<1x1xf32, #tpu.memory_space<smem>>, %arg2: memref<1x1xf32, #tpu.memory_space<smem>>) attributes {dimension_semantics = [], scalar_prefetch = 0 : i64, scratch_operands = 0 : i64, tpu.core_type = #tpu.core_type<tc>} {
    %get3A = arith.constant 0 : index
    %get3A_0 = arith.constant 0 : index
    %get3A_1 = vector.load %arg0[%get3A, %get3A_0] : memref<2x8192xf32, #tpu.memory_space<vmem>>, vector<2x8192xf32>
    %slice3A = vector.extract_strided_slice %get3A_1 {offsets = [0, 0], sizes = [1, 8192], strides = [1, 1]} : vector<2x8192xf32> to vector<1x8192xf32>
    %slice3A_2 = vector.extract_strided_slice %get3A_1 {offsets = [1, 0], sizes = [1, 8192], strides = [1, 1]} : vector<2x8192xf32> to vector<1x8192xf32>
    %add3A = arith.addf %slice3A, %slice3A_2 : vector<1x8192xf32>
    %mul3A = arith.constant 6.10351563E-5 : f32
    %mul3A_3 = vector.broadcast %mul3A : f32 to vector<1x8192xf32>
    %mul3A_4 = arith.mulf %add3A, %mul3A_3 : vector<1x8192xf32>
    %add3A_5 = arith.constant 1.000000e-10 : f32
    %add3A_6 = vector.broadcast %add3A_5 : f32 to vector<1x8192xf32>
    %add3A_7 = arith.addf %mul3A_4, %add3A_6 : vector<1x8192xf32>
    %log3A = math.log %add3A_7 : vector<1x8192xf32>
    %mul3A_8 = arith.mulf %mul3A_4, %log3A : vector<1x8192xf32>
    %reduce_sum3A = vector.shape_cast %mul3A_8 : vector<1x8192xf32> to vector<1x1x8192xf32>
    %reduce_sum3A_9 = arith.constant dense<0.000000e+00> : vector<1xf32>
    %reduce_sum3A_10 = vector.multi_reduction <add>, %reduce_sum3A, %reduce_sum3A_9 [1, 2] : vector<1x1x8192xf32> to vector<1xf32>
    %reduce_sum3A_11 = vector.shape_cast %reduce_sum3A_10 : vector<1xf32> to vector<1x1x1xf32>
    %reduce_sum3A_12 = vector.extract %reduce_sum3A_11[0, 0, 0] : f32 from vector<1x1x1xf32>
    %neg3A = arith.constant 0.000000e+00 : f32
    %neg3A_13 = arith.subf %neg3A, %reduce_sum3A_12 : f32
    %exp3A = math.exp %neg3A_13 : f32
    %swap3A = arith.constant 0 : index
    %swap3A_14 = arith.constant 0 : index
    %swap3A_15 = memref.load %arg1[%swap3A, %swap3A_14] : memref<1x1xf32, #tpu.memory_space<smem>>
    memref.store %exp3A, %arg1[%swap3A, %swap3A_14] : memref<1x1xf32, #tpu.memory_space<smem>>
    %gt3A = arith.constant 0.000000e+00 : f32
    %gt3A_16 = vector.broadcast %gt3A : f32 to vector<1x8192xf32>
    %gt3A_17 = arith.cmpf ogt, %add3A, %gt3A_16 : vector<1x8192xf32>
    %convert_element_type3A = arith.extui %gt3A_17 : vector<1x8192xi1> to vector<1x8192xi32>
    %convert_element_type3A_18 = arith.sitofp %convert_element_type3A : vector<1x8192xi32> to vector<1x8192xf32>
    %reduce_sum3A_19 = vector.shape_cast %convert_element_type3A_18 : vector<1x8192xf32> to vector<1x1x8192xf32>
    %reduce_sum3A_20 = arith.constant dense<0.000000e+00> : vector<1xf32>
    %reduce_sum3A_21 = vector.multi_reduction <add>, %reduce_sum3A_19, %reduce_sum3A_20 [1, 2] : vector<1x1x8192xf32> to vector<1xf32>
    %reduce_sum3A_22 = vector.shape_cast %reduce_sum3A_21 : vector<1xf32> to vector<1x1x1xf32>
    %reduce_sum3A_23 = vector.extract %reduce_sum3A_22[0, 0, 0] : f32 from vector<1x1x1xf32>
    %mul3A_24 = arith.constant 1.22070313E-4 : f32
    %mul3A_25 = arith.mulf %reduce_sum3A_23, %mul3A_24 : f32
    %swap3A_26 = arith.constant 0 : index
    %swap3A_27 = arith.constant 0 : index
    %swap3A_28 = memref.load %arg2[%swap3A_26, %swap3A_27] : memref<1x1xf32, #tpu.memory_space<smem>>
    memref.store %mul3A_25, %arg2[%swap3A_26, %swap3A_27] : memref<1x1xf32, #tpu.memory_space<smem>>
    return
  }
}

</mosaic_0001>

<sc_bundles>
// kernel: kernel.11.cloned.1.call-start
scs
__scs_entry_jumppad:
0x0: {  	(pc) =	sbr.rel $0x88, $3  }
0x1: {  	(tag) =	ssettag $0x0;
	lr =	simm.s32 $0x1  }
0x2: {  	[smem:$0x3F9F] =	sst lr;
	_ =	strace $0xD0000000  }
0x3: {  	_ = 	snop  }
0x4: {  	_ = 	snop  }
0x5: {  	_ = 	snop  }
0x6: {  	_ = 	snop  }
0x7: {  	_ = 	snop  }
__scs_overlays_trampoline_lowered:
0x8: {  	[smem:$0x3FAE] =	sst s0  }
0x9: {  	[smem:$0x3FAF] =	sst s1  }
0xa: {  	[smem:$0x3FB0] =	sst s2  }
0xb: {  	[smem:$0x3FB1] =	sst s3  }
0xc: {  	[smem:$0x3FB2] =	sst s4  }
0xd: {  	[smem:$0x3FB3] =	sst s5  }
0xe: {  	[smem:$0x3FB4] =	sst s6  }
0xf: {  	[smem:$0x3FB5] =	sst s7  }
0x10: {  	[smem:$0x3FB6] =	sst s8  }
0x11: {  	[smem:$0x3FB7] =	sst s9;
	s0 =	simm.s32 @!p0 $0x0  }
0x12: {  	s1 =	sld [smem:$0x3F9D];
	s0 =	simm.s32 @p0 $0x1  }
0x13: {  	[smem:$0x3FB8] =	sst s0;
	s0 =	simm.s32 @!p1 $0x0  }
0x14: {  	s2 =	sld [smem:$0x3F9C];
	s0 =	simm.s32 @p1 $0x1  }
0x15: {  	[smem:$0x3FB9] =	sst s0;
	s0 =	simm.s32 @!p2 $0x0  }
0x16: {  	s3 =	sld [smem:$0x3FDB];
	s0 =	simm.s32 @p2 $0x1  }
0x17: {  	s4 =	simm.s32 $0x1BF5;
	[smem:$0x3FBB] =	sst s0  }
0x18: {  	s0 =	sld [smem:$0x3F9E];
	_ =	swait.ge [sflag:s4], $0x0  }
0x19: {  	s7 =	sld [smem:$0x3F9F]  }
0x1a: {  	s8 =	sadd.s32 $0xFFFFE003, lr  }
0x1b: {  	s9 =	sadd.s32 $0xFFFFFEF7, lr;
	s5 =	simm.s32 $0xFFFFFFFF;
	p2 =	slt.u32 s8, $0xFFFFF086  }
0x1c: {  	p1 =	slt.u32 s9, $0xF7A;
	s5 =	simm.s32 @!p2 $0x0  }
0x1d: {  	s5 =	simm.s32 @p1 $0x1;
	p0 =	seq.s32 s7, s2  }
0x1e: {  	s7 =	smul.u32 @!p0 $0xF7A, s2;
	p2 =	seq.s32 @!p0 s5, $0x0  }
0x1f: {  	s9 =	smul.u32 $0xF7A, s1;
	s8 =	simm.s32 @!p0 $0x1BF5;
	p2 =	por !p2, p0  }
0x20: {  	[sflag:s8] =	ssyncset.s32 @!p0 $0xFFFFF086;
	s6 =	sadd.s32 @!p0 s3, s7;
	s7 =	simm.s32 @!p0 $0x108  }
0x21: {  	s3 =	sadd.s32 s3, s9;
	s6 =	sadd.s32 @!p0 $0x88, s6;
	s7 =	simm.s32 @p2 $0x1082  }
0x22: {  	[simem:s7], [sflag:s8] =	dma.local @!p0 [hbm:s6], $0xF7A  }
0x23: {  	s9 =	sor.u32 $0xD0000000, s2;
	s6 =	simm.s32 $0x108;
	_ =	swait.ge @!p0 [sflag:s8], $0x0  }
0x24: {  	s3 =	sadd.s32 $0x88, s3;
	s6 =	simm.s32 @!p1 $0x1082;
	[sflag:s4] =	ssyncset.s32 $0xFFFFF086  }
0x25: {  	[simem:s6], [sflag:s4] =	dma.local [hbm:s3], $0xF7A  }
0x26: {  	[smem:$0x3F9F] =	sst s1;
	(tag) =	ssettag s2;
	_ =	strace s9  }
0x27: {  	s1 =	sld [smem:$0x3FAF]  }
0x28: {  	s2 =	sld [smem:$0x3FB0]  }
0x29: {  	s4 =	sld [smem:$0x3FB2]  }
0x2a: {  	p0 =	seq.s32 s5, $0x0;
	s5 =	sld [smem:$0x3FB3]  }
0x2b: {  	s6 =	sld [smem:$0x3FB4]  }
0x2c: {  	s7 =	sld [smem:$0x3FB5]  }
0x2d: {  	s3 =	simm.s32 $0x108;
	s8 =	sld [smem:$0x3FB6]  }
0x2e: {  	s3 =	simm.s32 @!p0 $0x1082;
	s9 =	sld [smem:$0x3FB7]  }
0x2f: {  	lr =	sadd.s32 s0, s3;
	s0 =	sld [smem:$0x3FAE]  }
0x30: {  	s3 =	sld [smem:$0x3FB1]  }
0x31: {  	[smem:$0x3FBA] =	sst s10  }
0x32: {  	s10 =	sld [smem:$0x3FB8];
	_ =	sdelay $0x3  }
0x33: {  	p0 =	seq.s32 s10, $0x1;
	s10 =	sld [smem:$0x3FBA];
	_ =	sdelay $0x3  }
0x34: {  	[smem:$0x3FBA] =	sst s10  }
0x35: {  	s10 =	sld [smem:$0x3FB9];
	_ =	sdelay $0x3  }
0x36: {  	p1 =	seq.s32 s10, $0x1;
	s10 =	sld [smem:$0x3FBA];
	_ =	sdelay $0x3  }
0x37: {  	[smem:$0x3FBA] =	sst s10  }
0x38: {  	s10 =	sld [smem:$0x3FBB]  }
0x39: {  	_ = 	snop;
	(pc) =	sbr.ind lr, $3  }
0x3a: {  	_ = 	snop  }
0x3b: {  	_ = 	snop  }
0x3c: {  	p2 =	seq.s32 s10, $0x1;
	s10 =	sld [smem:$0x3FBA]  }
0x3d: {  	_ =	shalt  }
0x3e: {  	_ =	shalt  }
0x3f: {  	_ =	shalt  }
0x40: {  	_ =	shalt  }
0x41: {  	_ =	shalt  }
0x42: {  	_ =	shalt  }
0x43: {  	_ =	shalt  }
0x44: {  	_ =	shalt  }
0x45: {  	_ =	shalt  }
0x46: {  	_ =	shalt  }
0x47: {  	_ =	shalt  }
0x48: {  	_ =	shalt  }
0x49: {  	_ =	shalt  }
0x4a: {  	_ =	shalt  }
0x4b: {  	_ =	shalt  }
0x4c: {  	_ =	shalt  }
0x4d: {  	_ =	shalt  }
0x4e: {  	_ =	shalt  }
0x4f: {  	_ =	shalt  }
0x50: {  	_ =	shalt  }
0x51: {  	_ =	shalt  }
0x52: {  	_ =	shalt  }
0x53: {  	_ =	shalt  }
0x54: {  	_ =	shalt  }
0x55: {  	_ =	shalt  }
0x56: {  	_ =	shalt  }
0x57: {  	_ =	shalt  }
0x58: {  	_ =	shalt  }
0x59: {  	_ =	shalt  }
0x5a: {  	_ =	shalt  }
0x5b: {  	_ =	shalt  }
0x5c: {  	_ =	shalt  }
0x5d: {  	_ =	shalt  }
0x5e: {  	_ =	shalt  }
0x5f: {  	_ =	shalt  }
0x60: {  	_ =	shalt  }
0x61: {  	_ =	shalt  }
0x62: {  	_ =	shalt  }
0x63: {  	_ =	shalt  }
0x64: {  	_ =	shalt  }
0x65: {  	_ =	shalt  }
0x66: {  	_ =	shalt  }
0x67: {  	_ =	shalt  }
0x68: {  	_ =	shalt  }
0x69: {  	_ =	shalt  }
0x6a: {  	_ =	shalt  }
0x6b: {  	_ =	shalt  }
0x6c: {  	_ =	shalt  }
0x6d: {  	_ =	shalt  }
0x6e: {  	_ =	shalt  }
0x6f: {  	_ =	shalt  }
0x70: {  	_ =	shalt  }
0x71: {  	_ =	shalt  }
0x72: {  	_ =	shalt  }
0x73: {  	_ =	shalt  }
0x74: {  	_ =	shalt  }
0x75: {  	_ =	shalt  }
0x76: {  	_ =	shalt  }
0x77: {  	_ =	shalt  }
0x78: {  	_ =	shalt  }
0x79: {  	_ =	shalt  }
0x7a: {  	_ =	shalt  }
0x7b: {  	_ =	shalt  }
0x7c: {  	_ =	shalt  }
0x7d: {  	_ =	shalt  }
0x7e: {  	_ =	shalt  }
0x7f: {  	_ =	shalt  }
0x80: {  	_ =	shalt  }
0x81: {  	_ =	shalt  }
0x82: {  	_ =	shalt  }
0x83: {  	_ =	shalt  }
0x84: {  	_ =	shalt  }
0x85: {  	_ =	shalt  }
0x86: {  	_ =	shalt  }
0x87: {  	_ =	shalt  }
.Lfunc_end0:
.L_simem_size_0:
called_computation.1_lowered:
.L_overlay_start_0:
0x88: {  	s2 =	sld [smem:$0x3FD9]  }
0x89: {  	s3 =	sld [smem:$0x3FFE];
	_ =	sdelay $0x1  }
0x8a: {  	s1 =	srdreg.scid  }
0x8b: {  	s0 =	sand.u32 $0x1, s1  }
0x8c: {  	s14 =	sshll.u32 s0, $0xA;
	s2 =	sadd.s32 s3, s2  }
0x8d: {  	s2 =	sadd.s32 s2, s14  }
0x8e: {  	[smem:$0x3FC6] =	sst s2  }
0x8f: {  	_ = 	snop  }
0x90: {  	s2 =	sld [smem:$0x3FD0];
	_ =	sdelay $0x2  }
0x91: {  	s15 =	simm.s32 $0xA;
	s4 =	simm.s32 $0x10  }
0x92: {  	[smem:s4], [sflag:s15] =	dma.local [hbm:s2], $0x1  }
0x93: {  	_ =	swait.eq [sflag:s15], $0x1  }
0x94: {  	[sflag:s15] =	ssyncset.done $0x0  }
0x95: {  	[sflag:s15] =	ssyncadd.s32 $0xFFFFFFFF  }
0x96: {  	s16 =	sld [smem:$0x11];
	(tm) =	ssettm $0x1  }
0x97: {  	s17 =	sld [smem:$0x3FFB];
	_ =	sdelay $0x3  }
0x98: {  	_ =	strace s17  }
0x99: {  	s3 =	sld [smem:$0x3FFC];
	_ =	sdelay $0x3  }
0x9a: {  	_ =	strace s3  }
0x9b: {  	s3 =	sld [smem:$0x3FFD];
	_ =	sdelay $0x3  }
0x9c: {  	_ =	strace s3  }
0x9d: {  	_ =	strace $0x8FFFFFFF  }
0x9e: {  	s18 =	sld [smem:$0x3FDB];
	_ =	sdelay $0x1  }
0x9f: {  	s19 =	simm.s32 $_scs_section_size  }
0xa0: {  	s5 =	simm.s32 $_size__tile_overlayer_lowered;
	s6 =	simm.s32 $_tile_overlayer_lowered  }
0xa1: {  	s22 =	simm.s32 $0x1BFF;
	s21 =	sshll.u32 s6, $0x1;
	s3 =	sadd.s32 s19, s18  }
0xa2: {  	s7 =	simm.s32 $0x0;
	s20 =	sshll.u32 s5, $0x1;
	s5 =	sadd.s32 s21, s3  }
0xa3: {  	[timem:s7], [sflag:s22] =	dma.local [hbm:s5], s20  }
0xa4: {  	_ =	swait.ge [sflag:s22], s20  }
0xa5: {  	s4 =	ssub.s32 $0x0, s20;
	[sflag:s22] =	ssyncset.done $0x0  }
0xa6: {  	[sflag:s22] =	ssyncadd.s32 s4;
	_ =	sdelay $0x1  }
0xa7: {  	s23 =	simm.s32 $0x1B8B  }
0xa8: {  	_ =	swait.ge [sflag:s23], $0x1  }
0xa9: {  	[sflag:s23] =	ssyncset.done $0x0  }
0xaa: {  	s25 =	simm.s32 $0x1B8E;
	s24 =	sld [smem:$0x3FFE];
	[sflag:s23] =	ssyncadd.s32 $0xFFFFFFFF  }
0xab: {  	s26 =	simm.s32 $execute0_lowered;
	[smem:$0x3FD2] =	sst s25  }
0xac: {  	s5 =	sshll.u32 s26, $0x1;
	_ =	strace $0x80000049;
	[dreg:$0x1] =	wrdreg $0xFFFFFFFF  }
0xad: {  	s28 =	simm.s32 $_size_execute0_lowered;
	s3 =	sadd.s32 s3, s5;
	[dreg:$0x0] =	wrdreg $0x0  }
0xae: {  	s5 =	sshll.u32 s28, $0x1;
	[dreg:$0x2] =	wrdreg s3  }
0xaf: {  	[dreg:$0x3] =	wrdreg s5  }
0xb0: {  	[dreg:$0x4] =	wrdreg $0xC0  }
0xb1: {  	_ =	task [dreg:s7], $0x5FFFF  }
0xb2: {  	[dreg:$0x1] =	wrdreg $0xFFFFFFFF  }
0xb3: {  	[dreg:$0x0] =	wrdreg $0x60  }
0xb4: {  	[dreg:$0x2] =	wrdreg s16  }
0xb5: {  	[dreg:$0x3] =	wrdreg s24  }
0xb6: {  	[dreg:$0x4] =	wrdreg $0x4800  }
0xb7: {  	[dreg:$0x5] =	wrdreg $0x9  }
0xb8: {  	_ =	task.clear_ibuf [dreg:s7], $0x6FFFF;
	_ =	strace $0x90000049  }
0xb9: {  	s29 =	simm.s32 $0x9;
	_ =	strace $0x8000004B  }
0xba: {  	_ =	swait.ge [sflag:s29], $0x1  }
0xbb: {  	[sflag:s29] =	ssyncadd.s32 $0xFFFFFFFF  }
0xbc: {  	_ =	strace $0x9000004B  }
0xbd: {  	_ =	sfence  }
0xbe: {  	s30 =	sld [smem:$0x0];
	_ =	sdelay $0x2  }
0xbf: {  	s31 =	sshll.u32 s1, $0xD;
	s1 =	sshrl.u32 s1, $0x2  }
0xc0: {  	s3 =	sand.u32 $0x4000, s31;
	s1 =	sadd.s32 s1, s30  }
0xc1: {  	s0 =	sor.u32 s3, s0;
	s1 =	sshll.u32 s1, $0x11  }
0xc2: {  	s0 =	sor.u32 s1, s0  }
0xc3: {  	s0 =	sadd.s32 $0x8F2B, s0  }
0xc4: {  	[sflag:s0] =	ssyncadd.remote.s32 $0x1  }
0xc5: {  	_ =	sfence.sel $0xFFFF  }
0xc6: {  	[dreg:$0x0] =	wrdreg $0xFFFFFFFF;
	(pc) =	sbr.abs _section_cstart, $3  }
0xc7: {  	[dreg:$0x1] =	wrdreg $0xFFFFFFFF  }
0xc8: {  	_ =	task.clear_ibuf [dreg:s7], $0x2FFFF;
	_ =	strace $0x9FFFFFFF  }
0xc9: {  	(tm) =	ssettm $0x7FFFFFFF  }
tec
execute0_lowered:
.L_overlay_start_1:
0x0: {  	(tag) =	ssettag $0x1  }
0x1: {  	s2 =	rddreg [dreg:$0x0]  }
0x2: {  	s4 =	rddreg [dreg:$0x1]  }
0x3: {  	s1 =	rddreg [dreg:$0x2];
	s3 =	srdreg.scid  }
0x4: {  	s0 =	rddreg [dreg:$0x3];
	s6 =	sand.u32 $0x1, s3  }
0x5: {  	s7 =	stileid.u32;
	s3 =	simm.s32 $0x0;
	s5 =	sshll.u32 s6, $0x6  }
0x6: {  	s8 =	sshll.u32 s7, $0x7;
	[smem:$0x7FF] =	sst s3;
	s2 =	sadd.s32 s2, s5  }
0x7: {  	_ =	strace $0x8000004A;
	s5 =	sadd.s32 s8, s2;
	s2 =	simm.s32 $0x1  }
0x8: {  	[tilespmem:s3], [sflag:$0x1] =	stream.linear.gather [hbm4b:s5+s3], $0x200, $0x38;
	[tilespmem:$0x680] =	vst v63  }
0x9: {  	_ =	swait.ge [sflag:s2], $0x200  }
0xa: {  	[sflag:s2] =	ssyncset.done $0x0  }
0xb: {  	v0 =	vimm.f32 $0.0e+00;
	[sflag:s2] =	ssyncadd.s32 $0xFFFFFE00  }
0xc: {  	[tilespmem:$0x470] =	vst v0  }
0xd: {  	[tilespmem:$0x460] =	vst v0  }
0xe: {  	[tilespmem:$0x450] =	vst v0  }
0xf: {  	[tilespmem:$0x440] =	vst v0  }
0x10: {  	[tilespmem:$0x430] =	vst v0  }
0x11: {  	[tilespmem:$0x420] =	vst v0  }
0x12: {  	[tilespmem:$0x410] =	vst v0  }
0x13: {  	[tilespmem:$0x400] =	vst v0  }
0x14: {  	[tilespmem:$0x3F0] =	vst v0  }
0x15: {  	[tilespmem:$0x3E0] =	vst v0  }
0x16: {  	[tilespmem:$0x3D0] =	vst v0  }
0x17: {  	[tilespmem:$0x3C0] =	vst v0  }
0x18: {  	[tilespmem:$0x3B0] =	vst v0  }
0x19: {  	[tilespmem:$0x3A0] =	vst v0  }
0x1a: {  	[tilespmem:$0x390] =	vst v0  }
0x1b: {  	s29 =	ssub.s32 $0x2, s6;
	[tilespmem:$0x380] =	vst v0  }
0x1c: {  	s9 =	sshrl.u32 s29, $0x1;
	[tilespmem:$0x370] =	vst v0  }
0x1d: {  	s6 =	sshll.u32 s6, $0xA;
	s30 =	ssub.s32 s29, s9;
	[tilespmem:$0x360] =	vst v0  }
0x1e: {  	s4 =	sadd.s32 s6, s4;
	s6 =	smax.u32 s30, $0x1;
	[tilespmem:$0x350] =	vst v0  }
0x1f: {  	s13 =	sadd.s32 $0xFFFFFFFF, s6;
	[tilespmem:$0x340] =	vst v0  }
0x20: {  	p1 =	sne.s32 s13, $0x0;
	[tilespmem:$0x330] =	vst v0  }
.Ltmp0:
0x21: {  	[tilespmem:$0x320] =	vst v0;
	(pc) =	sbr.rel @!p1 .LBB2_2-.Ltmp0, $4  }
0x22: {  	s12 =	simm.s32 $0x280;
	[tilespmem:$0x310] =	vst v0  }
0x23: {  	s11 =	simm.s32 $0x100;
	s31 =	sshll.u32 s7, $0x9;
	p0 =	sne.s32 s7, $0x0;
	[tilespmem:$0x300] =	vst v0  }
0x24: {  	s10 =	sadd.s32 s31, s1;
	s7 =	sshrl.u32 @!p0 s1, $0x3;
	s4 =	sadd.s32 $0x41600, s4;
	[tilespmem:$0x2F0] =	vst v0  }
0x25: {  	v1 =	vimm.f32 $1.000000000e+00;
	s8 =	simm.s32 $0x200;
	s9 =	simm.s32 $0x180;
	s6 =	simm.s32 $0x80;
	[tilespmem:$0x2E0] =	vst v0  }
.LBB2_1:
0x26: {  	s13 =	sadd.s32 $0xFFFFFFFF, s13;
	[tilespmem:$0x2D0] =	vst v0  }
0x27: {  	p1 =	sne.s32 s13, $0x0;
	[tilespmem:$0x2C0] =	vst v0  }
0x28: {  	[tilespmem:$0x2B0] =	vst v0  }
0x29: {  	[tilespmem:$0x2A0] =	vst v0  }
0x2a: {  	[tilespmem:$0x290] =	vst v0  }
0x2b: {  	[tilespmem:$0x280] =	vst v0  }
0x2c: {  	[tilespmem:$0x270] =	vst v1  }
0x2d: {  	[tilespmem:$0x260] =	vst v1  }
0x2e: {  	[tilespmem:$0x250] =	vst v1  }
0x2f: {  	[tilespmem:$0x240] =	vst v1  }
0x30: {  	[tilespmem:$0x230] =	vst v1  }
0x31: {  	[tilespmem:$0x220] =	vst v1  }
0x32: {  	[tilespmem:$0x200] =	vst v1  }
0x33: {  	[tilespmem:$0x210] =	vst v1  }
0x34: {  	[spmem:s10] =	stream.linear.scatter [tilespmem:s12], [sflag:$0x1], $0x200, $0x38;
	[tilespmem:$0x680] =	vst v63  }
0x35: {  	_ =	swait.ge [sflag:s2], $0x200  }
0x36: {  	[sflag:s2] =	ssyncset.done $0x0  }
0x37: {  	[sflag:s2] =	ssyncadd.s32 $0xFFFFFE00  }
0x38: {  	[bflag:$0x0] =	sbarrier.arrive $0xFFFF  }
0x39: {  	[spmem:s1] =	stream.indirect.scatter.add.f32 [tilespmem:s8], [sflag:$0x1], $0x1, s3, s6, $0xb8;
	[tilespmem:$0x680] =	vst v63  }
0x3a: {  	_ =	swait.ge [sflag:s2], $0x80  }
0x3b: {  	[sflag:s2] =	ssyncset.done $0x0  }
0x3c: {  	[sflag:s2] =	ssyncadd.s32 $0xFFFFFF80  }
0x3d: {  	[spmem:s1] =	stream.indirect.scatter.add.f32 [tilespmem:s8], [sflag:$0x1], $0x1, s6, s6, $0xb8;
	[tilespmem:$0x680] =	vst v63  }
0x3e: {  	_ =	swait.ge [sflag:s2], $0x80  }
0x3f: {  	[sflag:s2] =	ssyncset.done $0x0  }
0x40: {  	[sflag:s2] =	ssyncadd.s32 $0xFFFFFF80  }
0x41: {  	[spmem:s1] =	stream.indirect.scatter.add.f32 [tilespmem:s8], [sflag:$0x1], $0x1, s11, s6, $0xb8;
	[tilespmem:$0x680] =	vst v63  }
0x42: {  	_ =	swait.ge [sflag:s2], $0x80  }
0x43: {  	[sflag:s2] =	ssyncset.done $0x0  }
0x44: {  	[sflag:s2] =	ssyncadd.s32 $0xFFFFFF80  }
0x45: {  	[spmem:s1] =	stream.indirect.scatter.add.f32 [tilespmem:s8], [sflag:$0x1], $0x1, s9, s6, $0xb8;
	[tilespmem:$0x680] =	vst v63  }
0x46: {  	_ =	swait.ge [sflag:s2], $0x80  }
0x47: {  	[sflag:s2] =	ssyncset.done $0x0  }
0x48: {  	s14 =	simm.s32 @!p0 $0x1C01;
	[sflag:s2] =	ssyncadd.s32 $0xFFFFFF80  }
0x49: {  	s15 =	simm.s32 @!p0 $0x1;
	[bflag:$0x0] =	sbarrier.arrive $0xFFFF  }
0x4a: {  	[hbm:s4], [sflag:s14] =	dma.local @!p0 [spmem:s7], $0x400  }
0x4b: {  	_ =	swait.ge @!p0 [sflag:s15], $0x400  }
0x4c: {  	[sflag:s15] =	ssyncset.done @!p0 $0x0  }
0x4d: {  	[sflag:s15] =	ssyncadd.s32 @!p0 $0xFFFFFC00  }
0x4e: {  	[tilespmem:s3], [sflag:$0x1] =	stream.linear.gather [hbm4b:s5+s3], $0x200, $0x38;
	[tilespmem:$0x680] =	vst v63  }
0x4f: {  	_ =	swait.ge [sflag:s2], $0x200  }
0x50: {  	[sflag:s2] =	ssyncset.done $0x0  }
0x51: {  	[sflag:s2] =	ssyncadd.s32 $0xFFFFFE00  }
0x52: {  	[tilespmem:$0x470] =	vst v0  }
0x53: {  	[tilespmem:$0x460] =	vst v0  }
0x54: {  	[tilespmem:$0x450] =	vst v0  }
0x55: {  	[tilespmem:$0x440] =	vst v0  }
0x56: {  	[tilespmem:$0x430] =	vst v0  }
0x57: {  	[tilespmem:$0x420] =	vst v0  }
0x58: {  	[tilespmem:$0x410] =	vst v0  }
0x59: {  	[tilespmem:$0x400] =	vst v0  }
0x5a: {  	[tilespmem:$0x3F0] =	vst v0  }
0x5b: {  	[tilespmem:$0x3E0] =	vst v0  }
0x5c: {  	[tilespmem:$0x3D0] =	vst v0  }
0x5d: {  	[tilespmem:$0x3C0] =	vst v0  }
0x5e: {  	[tilespmem:$0x3B0] =	vst v0  }
0x5f: {  	[tilespmem:$0x3A0] =	vst v0  }
0x60: {  	[tilespmem:$0x390] =	vst v0  }
0x61: {  	[tilespmem:$0x380] =	vst v0  }
0x62: {  	[tilespmem:$0x370] =	vst v0  }
0x63: {  	[tilespmem:$0x360] =	vst v0  }
0x64: {  	[tilespmem:$0x350] =	vst v0  }
0x65: {  	[tilespmem:$0x340] =	vst v0  }
0x66: {  	[tilespmem:$0x330] =	vst v0  }
.Ltmp1:
0x67: {  	[tilespmem:$0x320] =	vst v0;
	(pc) =	sbr.rel @p1 .LBB2_1-.Ltmp1, $4  }
0x68: {  	[tilespmem:$0x310] =	vst v0  }
0x69: {  	[tilespmem:$0x300] =	vst v0  }
0x6a: {  	[tilespmem:$0x2F0] =	vst v0  }
0x6b: {  	[tilespmem:$0x2E0] =	vst v0  }
.LBB2_2:
0x6c: {  	[tilespmem:$0x2D0] =	vst v0  }
0x6d: {  	[tilespmem:$0x2C0] =	vst v0  }
0x6e: {  	[tilespmem:$0x2B0] =	vst v0  }
0x6f: {  	[tilespmem:$0x2A0] =	vst v0  }
0x70: {  	[tilespmem:$0x290] =	vst v0  }
0x71: {  	[tilespmem:$0x280] =	vst v0  }
0x72: {  	[tilespmem:$0x270] =	vst v1  }
0x73: {  	[tilespmem:$0x260] =	vst v1  }
0x74: {  	[tilespmem:$0x250] =	vst v1  }
0x75: {  	[tilespmem:$0x240] =	vst v1  }
0x76: {  	[tilespmem:$0x230] =	vst v1  }
0x77: {  	[tilespmem:$0x220] =	vst v1  }
0x78: {  	[tilespmem:$0x200] =	vst v1  }
0x79: {  	[tilespmem:$0x210] =	vst v1  }
0x7a: {  	[spmem:s10] =	stream.linear.scatter [tilespmem:s12], [sflag:$0x1], $0x200, $0x38;
	[tilespmem:$0x680] =	vst v63  }
0x7b: {  	_ =	swait.ge [sflag:s2], $0x200  }
0x7c: {  	[sflag:s2] =	ssyncset.done $0x0  }
0x7d: {  	[sflag:s2] =	ssyncadd.s32 $0xFFFFFE00  }
0x7e: {  	[bflag:$0x0] =	sbarrier.arrive $0xFFFF  }
0x7f: {  	[spmem:s1] =	stream.indirect.scatter.add.f32 [tilespmem:s8], [sflag:$0x1], $0x1, s3, s6, $0xb8;
	[tilespmem:$0x680] =	vst v63  }
0x80: {  	_ =	swait.ge [sflag:s2], $0x80  }
0x81: {  	[sflag:s2] =	ssyncset.done $0x0  }
0x82: {  	[sflag:s2] =	ssyncadd.s32 $0xFFFFFF80  }
0x83: {  	[spmem:s1] =	stream.indirect.scatter.add.f32 [tilespmem:s8], [sflag:$0x1], $0x1, s6, s6, $0xb8;
	[tilespmem:$0x680] =	vst v63  }
0x84: {  	_ =	swait.ge [sflag:s2], $0x80  }
0x85: {  	[sflag:s2] =	ssyncset.done $0x0  }
0x86: {  	[sflag:s2] =	ssyncadd.s32 $0xFFFFFF80  }
0x87: {  	[spmem:s1] =	stream.indirect.scatter.add.f32 [tilespmem:s8], [sflag:$0x1], $0x1, s11, s6, $0xb8;
	[tilespmem:$0x680] =	vst v63  }
0x88: {  	_ =	swait.ge [sflag:s2], $0x80  }
0x89: {  	[sflag:s2] =	ssyncset.done $0x0  }
0x8a: {  	[sflag:s2] =	ssyncadd.s32 $0xFFFFFF80  }
0x8b: {  	[spmem:s1] =	stream.indirect.scatter.add.f32 [tilespmem:s8], [sflag:$0x1], $0x1, s9, s6, $0xb8;
	[tilespmem:$0x680] =	vst v63  }
0x8c: {  	_ =	swait.ge [sflag:s2], $0x80  }
0x8d: {  	[sflag:s2] =	ssyncset.done $0x0  }
0x8e: {  	[sflag:s2] =	ssyncadd.s32 $0xFFFFFF80  }
0x8f: {  	s1 =	simm.s32 @!p0 $0x1C01;
	s2 =	simm.s32 @!p0 $0x1;
	[bflag:$0x0] =	sbarrier.arrive $0xFFFF  }
0x90: {  	[hbm:s4], [sflag:s1] =	dma.local @!p0 [spmem:s7], $0x400  }
0x91: {  	_ =	swait.ge @!p0 [sflag:s2], $0x400  }
0x92: {  	[sflag:s2] =	ssyncset.done @!p0 $0x0  }
0x93: {  	[sflag:s2] =	ssyncadd.s32 @!p0 $0xFFFFFC00  }
0x94: {  	_ =	sfence.sel $0x180000  }
0x95: {  	[bflag:$0x0] =	sbarrier.arrive $0xFFFF  }
0x96: {  	_ =	strace $0x9000004A  }
0x97: {  	s0 =	sadd.s32 @!p0 $0x100000, s0;
	[bflag:$0x2] =	sbarrier.arrive $0xFFFF  }
0x98: {  	[sflag:s0] =	ssyncadd.tile.s32 @!p0 $0x1;
	_ =	shalt  }
.Lfunc_end2:
_tile_overlayer_lowered:
.L_overlay_start_2:
0x99: {  	(tag) =	ssettag $0x2  }
0x9a: {  	s0 =	rddreg [dreg:$0x0];
	s2 =	stileid.u32  }
0x9b: {  	s1 =	rddreg [dreg:$0x1];
	p0 =	sne.s32 s2, $0x0  }
0x9c: {  	s3 =	rddreg [dreg:$0x2];
	[bflag:$0x3] =	sbarrier.arrive $0xFFFF;
	s2 =	simm.s32 @!p0 $0x1C01  }
0x9d: {  	[timem:s3], [sflag:s2] =	dma.local @!p0 [hbm:s0], s1  }
0x9e: {  	s0 =	simm.s32 @!p0 $0x1  }
0x9f: {  	_ =	swait.ge @!p0 [sflag:s0], s1  }
0xa0: {  	s1 =	ssub.s32 @!p0 $0x0, s1;
	[sflag:s0] =	ssyncset.done @!p0 $0x0  }
0xa1: {  	[sflag:s0] =	ssyncadd.s32 @!p0 s1  }
0xa2: {  	[bflag:$0x3] =	sbarrier.arrive $0xFFFF  }
0xa3: {  	_ =	shalt  }

// kernel: kernel.8.cloned.1.call-start
scs
__scs_entry_jumppad:
0x0: {  	(pc) =	sbr.rel $0x88, $3  }
0x1: {  	(tag) =	ssettag $0x0;
	lr =	simm.s32 $0x1  }
0x2: {  	[smem:$0x3F9F] =	sst lr;
	_ =	strace $0xD0000000  }
0x3: {  	_ = 	snop  }
0x4: {  	_ = 	snop  }
0x5: {  	_ = 	snop  }
0x6: {  	_ = 	snop  }
0x7: {  	_ = 	snop  }
__scs_overlays_trampoline_lowered:
0x8: {  	[smem:$0x3FAE] =	sst s0  }
0x9: {  	[smem:$0x3FAF] =	sst s1  }
0xa: {  	[smem:$0x3FB0] =	sst s2  }
0xb: {  	[smem:$0x3FB1] =	sst s3  }
0xc: {  	[smem:$0x3FB2] =	sst s4  }
0xd: {  	[smem:$0x3FB3] =	sst s5  }
0xe: {  	[smem:$0x3FB4] =	sst s6  }
0xf: {  	[smem:$0x3FB5] =	sst s7  }
0x10: {  	[smem:$0x3FB6] =	sst s8  }
0x11: {  	[smem:$0x3FB7] =	sst s9;
	s0 =	simm.s32 @!p0 $0x0  }
0x12: {  	s1 =	sld [smem:$0x3F9D];
	s0 =	simm.s32 @p0 $0x1  }
0x13: {  	[smem:$0x3FB8] =	sst s0;
	s0 =	simm.s32 @!p1 $0x0  }
0x14: {  	s2 =	sld [smem:$0x3F9C];
	s0 =	simm.s32 @p1 $0x1  }
0x15: {  	[smem:$0x3FB9] =	sst s0;
	s0 =	simm.s32 @!p2 $0x0  }
0x16: {  	s3 =	sld [smem:$0x3FDB];
	s0 =	simm.s32 @p2 $0x1  }
0x17: {  	s4 =	simm.s32 $0x1BF5;
	[smem:$0x3FBB] =	sst s0  }
0x18: {  	s0 =	sld [smem:$0x3F9E];
	_ =	swait.ge [sflag:s4], $0x0  }
0x19: {  	s7 =	sld [smem:$0x3F9F]  }
0x1a: {  	s8 =	sadd.s32 $0xFFFFE003, lr  }
0x1b: {  	s9 =	sadd.s32 $0xFFFFFEF7, lr;
	s5 =	simm.s32 $0xFFFFFFFF;
	p2 =	slt.u32 s8, $0xFFFFF086  }
0x1c: {  	p1 =	slt.u32 s9, $0xF7A;
	s5 =	simm.s32 @!p2 $0x0  }
0x1d: {  	s5 =	simm.s32 @p1 $0x1;
	p0 =	seq.s32 s7, s2  }
0x1e: {  	s7 =	smul.u32 @!p0 $0xF7A, s2;
	p2 =	seq.s32 @!p0 s5, $0x0  }
0x1f: {  	s9 =	smul.u32 $0xF7A, s1;
	s8 =	simm.s32 @!p0 $0x1BF5;
	p2 =	por !p2, p0  }
0x20: {  	[sflag:s8] =	ssyncset.s32 @!p0 $0xFFFFF086;
	s6 =	sadd.s32 @!p0 s3, s7;
	s7 =	simm.s32 @!p0 $0x108  }
0x21: {  	s3 =	sadd.s32 s3, s9;
	s6 =	sadd.s32 @!p0 $0x88, s6;
	s7 =	simm.s32 @p2 $0x1082  }
0x22: {  	[simem:s7], [sflag:s8] =	dma.local @!p0 [hbm:s6], $0xF7A  }
0x23: {  	s9 =	sor.u32 $0xD0000000, s2;
	s6 =	simm.s32 $0x108;
	_ =	swait.ge @!p0 [sflag:s8], $0x0  }
0x24: {  	s3 =	sadd.s32 $0x88, s3;
	s6 =	simm.s32 @!p1 $0x1082;
	[sflag:s4] =	ssyncset.s32 $0xFFFFF086  }
0x25: {  	[simem:s6], [sflag:s4] =	dma.local [hbm:s3], $0xF7A  }
0x26: {  	[smem:$0x3F9F] =	sst s1;
	(tag) =	ssettag s2;
	_ =	strace s9  }
0x27: {  	s1 =	sld [smem:$0x3FAF]  }
0x28: {  	s2 =	sld [smem:$0x3FB0]  }
0x29: {  	s4 =	sld [smem:$0x3FB2]  }
0x2a: {  	p0 =	seq.s32 s5, $0x0;
	s5 =	sld [smem:$0x3FB3]  }
0x2b: {  	s6 =	sld [smem:$0x3FB4]  }
0x2c: {  	s7 =	sld [smem:$0x3FB5]  }
0x2d: {  	s3 =	simm.s32 $0x108;
	s8 =	sld [smem:$0x3FB6]  }
0x2e: {  	s3 =	simm.s32 @!p0 $0x1082;
	s9 =	sld [smem:$0x3FB7]  }
0x2f: {  	lr =	sadd.s32 s0, s3;
	s0 =	sld [smem:$0x3FAE]  }
0x30: {  	s3 =	sld [smem:$0x3FB1]  }
0x31: {  	[smem:$0x3FBA] =	sst s10  }
0x32: {  	s10 =	sld [smem:$0x3FB8];
	_ =	sdelay $0x3  }
0x33: {  	p0 =	seq.s32 s10, $0x1;
	s10 =	sld [smem:$0x3FBA];
	_ =	sdelay $0x3  }
0x34: {  	[smem:$0x3FBA] =	sst s10  }
0x35: {  	s10 =	sld [smem:$0x3FB9];
	_ =	sdelay $0x3  }
0x36: {  	p1 =	seq.s32 s10, $0x1;
	s10 =	sld [smem:$0x3FBA];
	_ =	sdelay $0x3  }
0x37: {  	[smem:$0x3FBA] =	sst s10  }
0x38: {  	s10 =	sld [smem:$0x3FBB]  }
0x39: {  	_ = 	snop;
	(pc) =	sbr.ind lr, $3  }
0x3a: {  	_ = 	snop  }
0x3b: {  	_ = 	snop  }
0x3c: {  	p2 =	seq.s32 s10, $0x1;
	s10 =	sld [smem:$0x3FBA]  }
0x3d: {  	_ =	shalt  }
0x3e: {  	_ =	shalt  }
0x3f: {  	_ =	shalt  }
0x40: {  	_ =	shalt  }
0x41: {  	_ =	shalt  }
0x42: {  	_ =	shalt  }
0x43: {  	_ =	shalt  }
0x44: {  	_ =	shalt  }
0x45: {  	_ =	shalt  }
0x46: {  	_ =	shalt  }
0x47: {  	_ =	shalt  }
0x48: {  	_ =	shalt  }
0x49: {  	_ =	shalt  }
0x4a: {  	_ =	shalt  }
0x4b: {  	_ =	shalt  }
0x4c: {  	_ =	shalt  }
0x4d: {  	_ =	shalt  }
0x4e: {  	_ =	shalt  }
0x4f: {  	_ =	shalt  }
0x50: {  	_ =	shalt  }
0x51: {  	_ =	shalt  }
0x52: {  	_ =	shalt  }
0x53: {  	_ =	shalt  }
0x54: {  	_ =	shalt  }
0x55: {  	_ =	shalt  }
0x56: {  	_ =	shalt  }
0x57: {  	_ =	shalt  }
0x58: {  	_ =	shalt  }
0x59: {  	_ =	shalt  }
0x5a: {  	_ =	shalt  }
0x5b: {  	_ =	shalt  }
0x5c: {  	_ =	shalt  }
0x5d: {  	_ =	shalt  }
0x5e: {  	_ =	shalt  }
0x5f: {  	_ =	shalt  }
0x60: {  	_ =	shalt  }
0x61: {  	_ =	shalt  }
0x62: {  	_ =	shalt  }
0x63: {  	_ =	shalt  }
0x64: {  	_ =	shalt  }
0x65: {  	_ =	shalt  }
0x66: {  	_ =	shalt  }
0x67: {  	_ =	shalt  }
0x68: {  	_ =	shalt  }
0x69: {  	_ =	shalt  }
0x6a: {  	_ =	shalt  }
0x6b: {  	_ =	shalt  }
0x6c: {  	_ =	shalt  }
0x6d: {  	_ =	shalt  }
0x6e: {  	_ =	shalt  }
0x6f: {  	_ =	shalt  }
0x70: {  	_ =	shalt  }
0x71: {  	_ =	shalt  }
0x72: {  	_ =	shalt  }
0x73: {  	_ =	shalt  }
0x74: {  	_ =	shalt  }
0x75: {  	_ =	shalt  }
0x76: {  	_ =	shalt  }
0x77: {  	_ =	shalt  }
0x78: {  	_ =	shalt  }
0x79: {  	_ =	shalt  }
0x7a: {  	_ =	shalt  }
0x7b: {  	_ =	shalt  }
0x7c: {  	_ =	shalt  }
0x7d: {  	_ =	shalt  }
0x7e: {  	_ =	shalt  }
0x7f: {  	_ =	shalt  }
0x80: {  	_ =	shalt  }
0x81: {  	_ =	shalt  }
0x82: {  	_ =	shalt  }
0x83: {  	_ =	shalt  }
0x84: {  	_ =	shalt  }
0x85: {  	_ =	shalt  }
0x86: {  	_ =	shalt  }
0x87: {  	_ =	shalt  }
.Lfunc_end0:
.L_simem_size_0:
called_computation_lowered:
.L_overlay_start_0:
0x88: {  	s2 =	sld [smem:$0x3FD9]  }
0x89: {  	s3 =	sld [smem:$0x3FFE];
	_ =	sdelay $0x1  }
0x8a: {  	s1 =	srdreg.scid  }
0x8b: {  	s0 =	sand.u32 $0x1, s1  }
0x8c: {  	s14 =	sshll.u32 s0, $0xA;
	s2 =	sadd.s32 s3, s2  }
0x8d: {  	s2 =	sadd.s32 s2, s14  }
0x8e: {  	[smem:$0x3FC6] =	sst s2  }
0x8f: {  	_ = 	snop  }
0x90: {  	s2 =	sld [smem:$0x3FD0];
	_ =	sdelay $0x2  }
0x91: {  	s15 =	simm.s32 $0xA;
	s4 =	simm.s32 $0x10  }
0x92: {  	[smem:s4], [sflag:s15] =	dma.local [hbm:s2], $0x1  }
0x93: {  	_ =	swait.eq [sflag:s15], $0x1  }
0x94: {  	[sflag:s15] =	ssyncset.done $0x0  }
0x95: {  	s16 =	sld [smem:$0x10];
	[sflag:s15] =	ssyncadd.s32 $0xFFFFFFFF  }
0x96: {  	s17 =	sld [smem:$0x11];
	(tm) =	ssettm $0x1  }
0x97: {  	s18 =	sld [smem:$0x3FFB];
	_ =	sdelay $0x3  }
0x98: {  	_ =	strace s18  }
0x99: {  	s4 =	sld [smem:$0x3FFC];
	_ =	sdelay $0x3  }
0x9a: {  	_ =	strace s4  }
0x9b: {  	s4 =	sld [smem:$0x3FFD];
	_ =	sdelay $0x3  }
0x9c: {  	_ =	strace s4  }
0x9d: {  	_ =	strace $0x8FFFFFFF  }
0x9e: {  	s19 =	sld [smem:$0x3FDB];
	_ =	sdelay $0x1  }
0x9f: {  	s5 =	simm.s32 $_scs_section_size  }
0xa0: {  	s6 =	simm.s32 $_size__tile_overlayer_lowered;
	s7 =	simm.s32 $_tile_overlayer_lowered  }
0xa1: {  	s22 =	simm.s32 $0x1BFF;
	s21 =	sshll.u32 s7, $0x1;
	s4 =	sadd.s32 s5, s19  }
0xa2: {  	s8 =	simm.s32 $0x0;
	s20 =	sshll.u32 s6, $0x1;
	s6 =	sadd.s32 s21, s4  }
0xa3: {  	[timem:s8], [sflag:s22] =	dma.local [hbm:s6], s20  }
0xa4: {  	_ =	swait.ge [sflag:s22], s20  }
0xa5: {  	s5 =	ssub.s32 $0x0, s20;
	[sflag:s22] =	ssyncset.done $0x0  }
0xa6: {  	[sflag:s22] =	ssyncadd.s32 s5;
	_ =	sdelay $0x1  }
0xa7: {  	s23 =	simm.s32 $0x1B8B  }
0xa8: {  	_ =	swait.ge [sflag:s23], $0x1  }
0xa9: {  	[sflag:s23] =	ssyncset.done $0x0  }
0xaa: {  	s25 =	simm.s32 $0x1B8E;
	s24 =	sld [smem:$0x3FFE];
	[sflag:s23] =	ssyncadd.s32 $0xFFFFFFFF  }
0xab: {  	s26 =	simm.s32 $execute0_lowered;
	[smem:$0x3FD2] =	sst s25  }
0xac: {  	s6 =	sshll.u32 s26, $0x1;
	_ =	strace $0x80000046;
	[dreg:$0x1] =	wrdreg $0xFFFFFFFF  }
0xad: {  	s28 =	simm.s32 $_size_execute0_lowered;
	s4 =	sadd.s32 s4, s6;
	[dreg:$0x0] =	wrdreg $0x0  }
0xae: {  	s6 =	sshll.u32 s28, $0x1;
	[dreg:$0x2] =	wrdreg s4  }
0xaf: {  	[dreg:$0x3] =	wrdreg s6  }
0xb0: {  	[dreg:$0x4] =	wrdreg $0xC0  }
0xb1: {  	_ =	task [dreg:s8], $0x5FFFF  }
0xb2: {  	[dreg:$0x1] =	wrdreg $0xFFFFFFFF  }
0xb3: {  	[dreg:$0x0] =	wrdreg $0x60  }
0xb4: {  	[dreg:$0x2] =	wrdreg s16  }
0xb5: {  	[dreg:$0x3] =	wrdreg s17  }
0xb6: {  	[dreg:$0x4] =	wrdreg s24  }
0xb7: {  	[dreg:$0x5] =	wrdreg $0x9  }
0xb8: {  	_ =	task.clear_ibuf [dreg:s8], $0x6FFFF;
	_ =	strace $0x90000046  }
0xb9: {  	s29 =	simm.s32 $0x9;
	_ =	strace $0x80000048  }
0xba: {  	_ =	swait.ge [sflag:s29], $0x1  }
0xbb: {  	[sflag:s29] =	ssyncadd.s32 $0xFFFFFFFF  }
0xbc: {  	_ =	strace $0x90000048  }
0xbd: {  	_ =	sfence  }
0xbe: {  	s30 =	sld [smem:$0x0];
	_ =	sdelay $0x2  }
0xbf: {  	s31 =	sshll.u32 s1, $0xD;
	s1 =	sshrl.u32 s1, $0x2  }
0xc0: {  	s3 =	sand.u32 $0x4000, s31;
	s1 =	sadd.s32 s1, s30  }
0xc1: {  	s0 =	sor.u32 s3, s0;
	s1 =	sshll.u32 s1, $0x11  }
0xc2: {  	s0 =	sor.u32 s1, s0  }
0xc3: {  	s0 =	sadd.s32 $0x8F2B, s0  }
0xc4: {  	[sflag:s0] =	ssyncadd.remote.s32 $0x1  }
0xc5: {  	_ =	sfence.sel $0xFFFF  }
0xc6: {  	[dreg:$0x0] =	wrdreg $0xFFFFFFFF;
	(pc) =	sbr.abs _section_cstart, $3  }
0xc7: {  	[dreg:$0x1] =	wrdreg $0xFFFFFFFF  }
0xc8: {  	_ =	task.clear_ibuf [dreg:s8], $0x2FFFF;
	_ =	strace $0x9FFFFFFF  }
0xc9: {  	(tm) =	ssettm $0x7FFFFFFF  }
tec
execute0_lowered:
.L_overlay_start_1:
0x0: {  	(tag) =	ssettag $0x1  }
0x1: {  	s1 =	rddreg [dreg:$0x0]  }
0x2: {  	s4 =	rddreg [dreg:$0x1]  }
0x3: {  	s12 =	rddreg [dreg:$0x2];
	s2 =	srdreg.scid  }
0x4: {  	s0 =	rddreg [dreg:$0x3];
	s13 =	sand.u32 $0x1, s2  }
0x5: {  	s3 =	simm.s32 $0x0;
	s2 =	stileid.u32;
	s5 =	sshll.u32 s13, $0x6  }
0x6: {  	[smem:$0x7FF] =	sst s3;
	s6 =	sshll.u32 s2, $0x7;
	s4 =	sadd.s32 s4, s5  }
0x7: {  	_ =	strace $0x80000047;
	s5 =	sadd.s32 s6, s4;
	s4 =	simm.s32 $0x2  }
0x8: {  	[tilespmem:s3], [sflag:$0x2] =	stream.linear.gather [hbm4b:s5+s3], $0x200, $0x38;
	[tilespmem:$0x10200] =	vst v63  }
0x9: {  	_ =	swait.ge [sflag:s4], $0x200  }
0xa: {  	s7 =	simm.s32 $0x200;
	[sflag:s4] =	ssyncset.done $0x0  }
0xb: {  	s8 =	simm.s32 $0x1;
	s6 =	simm.s32 $0x80;
	[sflag:s4] =	ssyncadd.s32 $0xFFFFFE00  }
0xc: {  	[tilespmem:s7], [sflag:$0x1] =	stream.indirect.gather [hbm4b:s1+s6], $0x80, s3, s6, $0xb8;
	[tilespmem:$0x10200] =	vst v63  }
0xd: {  	_ =	swait.ge [sflag:s8], $0x4000  }
0xe: {  	[sflag:s8] =	ssyncset.done $0x0  }
0xf: {  	s9 =	simm.s32 $0x4200;
	[sflag:s8] =	ssyncadd.s32 $0xFFFFC000  }
0x10: {  	[tilespmem:s9], [sflag:$0x1] =	stream.indirect.gather [hbm4b:s1+s6], $0x80, s6, s6, $0xb8;
	[tilespmem:$0x10200] =	vst v63  }
0x11: {  	_ =	swait.ge [sflag:s8], $0x4000  }
0x12: {  	s10 =	simm.s32 $0x100;
	s11 =	simm.s32 $0x8200;
	[sflag:s8] =	ssyncset.done $0x0  }
0x13: {  	s14 =	sshll.u32 s13, $0xD;
	s15 =	ssub.s32 $0x2, s13;
	[sflag:s8] =	ssyncadd.s32 $0xFFFFC000  }
0x14: {  	[tilespmem:s11], [sflag:$0x1] =	stream.indirect.gather [hbm4b:s1+s6], $0x80, s10, s6, $0xb8;
	[tilespmem:$0x10200] =	vst v63  }
0x15: {  	s13 =	simm.s32 $0xC200;
	s16 =	sshrl.u32 s15, $0x1;
	_ =	swait.ge [sflag:s8], $0x4000  }
0x16: {  	s14 =	sadd.s32 s14, s12;
	s15 =	ssub.s32 s15, s16;
	[sflag:s8] =	ssyncset.done $0x0  }
0x17: {  	s12 =	simm.s32 $0x180;
	s15 =	smax.u32 s15, $0x1;
	[sflag:s8] =	ssyncadd.s32 $0xFFFFC000  }
0x18: {  	[tilespmem:s13], [sflag:$0x1] =	stream.indirect.gather [hbm4b:s1+s6], $0x80, s12, s6, $0xb8;
	[tilespmem:$0x10200] =	vst v63  }
0x19: {  	s17 =	sshll.u32 s2, $0xE;
	p0 =	sne.s32 s15, $0x1;
	_ =	swait.ge [sflag:s8], $0x4000  }
.Ltmp0:
0x1a: {  	s14 =	sadd.s32 s17, s14;
	[sflag:s8] =	ssyncset.done $0x0;
	(pc) =	sbr.rel @!p0 .LBB2_2-.Ltmp0, $4  }
0x1b: {  	s14 =	sadd.s32 $0x1600, s14;
	[sflag:s8] =	ssyncadd.s32 $0xFFFFC000  }
0x1c: {  	[hbm4b:s14+s3] =	stream.linear.scatter [tilespmem:s7], [sflag:$0x2], $0x10000, $0x38;
	[tilespmem:$0x10200] =	vst v63  }
0x1d: {  	_ =	swait.ge [sflag:s4], $0x10000  }
0x1e: {  	s15 =	sadd.s32 $0xFFFFFFFF, s15;
	[sflag:s4] =	ssyncset.done $0x0  }
.LBB2_1:
0x1f: {  	p0 =	sne.s32 s15, $0x1;
	s15 =	sadd.s32 $0xFFFFFFFF, s15;
	[sflag:s4] =	ssyncadd.s32 $0xFFFF0000  }
0x20: {  	[tilespmem:s3], [sflag:$0x2] =	stream.linear.gather [hbm4b:s5+s3], $0x200, $0x38;
	[tilespmem:$0x10200] =	vst v63  }
0x21: {  	_ =	swait.ge [sflag:s4], $0x200  }
0x22: {  	[sflag:s4] =	ssyncset.done $0x0  }
0x23: {  	[sflag:s4] =	ssyncadd.s32 $0xFFFFFE00  }
0x24: {  	[tilespmem:s7], [sflag:$0x1] =	stream.indirect.gather [hbm4b:s1+s6], $0x80, s3, s6, $0xb8;
	[tilespmem:$0x10200] =	vst v63  }
0x25: {  	_ =	swait.ge [sflag:s8], $0x4000  }
0x26: {  	[sflag:s8] =	ssyncset.done $0x0  }
0x27: {  	[sflag:s8] =	ssyncadd.s32 $0xFFFFC000  }
0x28: {  	[tilespmem:s9], [sflag:$0x1] =	stream.indirect.gather [hbm4b:s1+s6], $0x80, s6, s6, $0xb8;
	[tilespmem:$0x10200] =	vst v63  }
0x29: {  	_ =	swait.ge [sflag:s8], $0x4000  }
0x2a: {  	[sflag:s8] =	ssyncset.done $0x0  }
0x2b: {  	[sflag:s8] =	ssyncadd.s32 $0xFFFFC000  }
0x2c: {  	[tilespmem:s11], [sflag:$0x1] =	stream.indirect.gather [hbm4b:s1+s6], $0x80, s10, s6, $0xb8;
	[tilespmem:$0x10200] =	vst v63  }
0x2d: {  	_ =	swait.ge [sflag:s8], $0x4000  }
0x2e: {  	[sflag:s8] =	ssyncset.done $0x0  }
0x2f: {  	[sflag:s8] =	ssyncadd.s32 $0xFFFFC000  }
0x30: {  	[tilespmem:s13], [sflag:$0x1] =	stream.indirect.gather [hbm4b:s1+s6], $0x80, s12, s6, $0xb8;
	[tilespmem:$0x10200] =	vst v63  }
0x31: {  	_ =	swait.ge [sflag:s8], $0x4000  }
.Ltmp1:
0x32: {  	[sflag:s8] =	ssyncset.done $0x0;
	(pc) =	sbr.rel @p0 .LBB2_1-.Ltmp1, $4  }
0x33: {  	[sflag:s8] =	ssyncadd.s32 $0xFFFFC000  }
0x34: {  	[hbm4b:s14+s3] =	stream.linear.scatter [tilespmem:s7], [sflag:$0x2], $0x10000, $0x38;
	[tilespmem:$0x10200] =	vst v63  }
0x35: {  	_ =	swait.ge [sflag:s4], $0x10000  }
0x36: {  	[sflag:s4] =	ssyncset.done $0x0  }
.LBB2_2:
0x37: {  	[sflag:s4] =	ssyncadd.s32 $0xFFFF0000  }
0x38: {  	_ =	sfence.sel $0x180000  }
0x39: {  	[bflag:$0x0] =	sbarrier.arrive $0xFFFF  }
0x3a: {  	p0 =	sne.s32 s2, $0x0;
	_ =	strace $0x90000047  }
0x3b: {  	s0 =	sadd.s32 @!p0 $0x100000, s0;
	[bflag:$0x2] =	sbarrier.arrive $0xFFFF  }
0x3c: {  	[sflag:s0] =	ssyncadd.tile.s32 @!p0 $0x1;
	_ =	shalt  }
.Lfunc_end2:
_tile_overlayer_lowered:
.L_overlay_start_2:
0x3d: {  	(tag) =	ssettag $0x2  }
0x3e: {  	s0 =	rddreg [dreg:$0x0];
	s2 =	stileid.u32  }
0x3f: {  	s1 =	rddreg [dreg:$0x1];
	p0 =	sne.s32 s2, $0x0  }
0x40: {  	s3 =	rddreg [dreg:$0x2];
	[bflag:$0x3] =	sbarrier.arrive $0xFFFF;
	s2 =	simm.s32 @!p0 $0x1C02  }
0x41: {  	[timem:s3], [sflag:s2] =	dma.local @!p0 [hbm:s0], s1  }
0x42: {  	s0 =	simm.s32 @!p0 $0x2  }
0x43: {  	_ =	swait.ge @!p0 [sflag:s0], s1  }
0x44: {  	s1 =	ssub.s32 @!p0 $0x0, s1;
	[sflag:s0] =	ssyncset.done @!p0 $0x0  }
0x45: {  	[sflag:s0] =	ssyncadd.s32 @!p0 s1  }
0x46: {  	[bflag:$0x3] =	sbarrier.arrive $0xFFFF  }
0x47: {  	_ =	shalt  }

</sc_bundles>
